<compile_context>
chip_gen: v7x
topology: tpu7x:2x2x1
jax: 0.10.2.dev20260603
libtpu: 0.0.44.dev20260713+nightly
codegen_flags: <defaults>
</compile_context>

<pallas_src>
import functools
import math

import numpy as np
import jax
import jax.numpy as jnp
from jax import lax
from jax.experimental import pallas as pl
from jax.experimental.pallas import tpu as pltpu
from jax.experimental.pallas import tpu_sc as plsc

N0 = 100000
E0 = 1600000
INNER = 16
TEMB = 64

NUM_CORES = 2
NUM_SUBCORES = 16
NUM_WORKERS = NUM_CORES * NUM_SUBCORES
WIN = 128
WPC = 25
CHUNKS = 16
PER_TILE = WIN * WPC * CHUNKS
E_PAD = PER_TILE * NUM_WORKERS
R_DUMMY = 2016
NP = N0 + R_DUMMY
RPT = NP // NUM_SUBCORES
RL = NP * 4 // 128
IDX_ROWS = E_PAD // WIN


def _sc_propagate(table_aug, gidx2d, sidx2d, zeros_tab):
    mesh = plsc.VectorSubcoreMesh(core_axis_name="c", subcore_axis_name="s")

    @functools.partial(
        pl.kernel,
        out_type=jax.ShapeDtypeStruct((NUM_CORES, NUM_SUBCORES, RPT, 4),
                                      jnp.float32),
        mesh=mesh,
        compiler_params=pltpu.CompilerParams(use_tc_tiling_on_sc=False),
        scratch_types=[
            pltpu.VMEM((WIN,), jnp.int32),
            pltpu.VMEM((WIN,), jnp.int32),
            pltpu.VMEM((WIN, 4), jnp.float32),
            pltpu.VMEM((RPT, 4), jnp.float32),
            pltpu.VMEM_SHARED((NP, 4), jnp.float32),
            pltpu.VMEM_SHARED((NP, 4), jnp.float32),
        ],
    )
    def body(tab_hbm, gidx_hbm, sidx_hbm, zero_hbm, out_hbm,
             gwin, swin, rows, stage, table, acc):
        c = lax.axis_index("c")
        s = lax.axis_index("s")
        wid = s * NUM_CORES + c
        r0 = s * RPT
        pltpu.sync_copy(tab_hbm.at[s], stage)
        pltpu.sync_copy(stage, table.at[pl.ds(r0, RPT)])
        pltpu.sync_copy(zero_hbm.at[s], stage)
        pltpu.sync_copy(stage, acc.at[pl.ds(r0, RPT)])
        plsc.subcore_barrier()

        base = wid * PER_TILE

        def win_body(w, carry):
            off = base + w * WIN
            pltpu.sync_copy(gidx_hbm.at[pl.ds(off, WIN)], gwin)
            pltpu.sync_copy(sidx_hbm.at[pl.ds(off, WIN)], swin)
            pltpu.sync_copy(table.at[gwin], rows)
            pltpu.sync_copy(rows, acc.at[swin], add=True)
            return carry

        lax.fori_loop(0, PER_TILE // WIN, win_body, 0)
        plsc.subcore_barrier()
        pltpu.sync_copy(acc.at[pl.ds(r0, RPT)], stage)
        pltpu.sync_copy(stage, out_hbm.at[c, s])

    out = body(table_aug, gidx2d, sidx2d, zeros_tab)
    return out.reshape(NUM_CORES, NP, 4)


_GBLK = np.zeros((4, 4), np.float32)
_GBLK[3, :] = 1.0
_GNP = np.kron(np.eye(32, dtype=np.float32), _GBLK)


def _lane_masks():
    lane = lax.broadcasted_iota(jnp.int32, (1, 128), 1)
    is3 = (lane % 4) == 3
    return jnp.where(is3, 0.0, 1.0), jnp.where(is3, 1.0, 0.0)


def _combine_scale_body(p_ref, g_ref, o_ref):
    m012, m3 = _lane_masks()
    p = p_ref[0] + p_ref[1]
    spread = jnp.dot(p, g_ref[...], preferred_element_type=jnp.float32)
    scale = jnp.where(spread > 0, 1.0 / jnp.where(spread > 0, spread, 1.0), 0.0)
    o_ref[...] = p * scale * m012 + m3


def _combine_scale(partials):
    return pl.pallas_call(
        _combine_scale_body,
        out_shape=jax.ShapeDtypeStruct((RL, 128), jnp.float32),
    )(partials, jnp.asarray(_GNP))


def _dense_mid_body(p_ref, g_ref, a_ref, b_ref, tenc_ref, o_ref):
    m012, m3 = _lane_masks()
    p = p_ref[0] + p_ref[1]
    spread = jnp.dot(p, g_ref[...], preferred_element_type=jnp.float32)
    scale = jnp.where(spread > 0, 1.0 / jnp.where(spread > 0, spread, 1.0), 0.0)
    xs = p * scale * m012
    h = jax.nn.silu(jnp.dot(xs, a_ref[...], preferred_element_type=jnp.float32)
                    + tenc_ref[...])
    y = jnp.dot(h, b_ref[...], preferred_element_type=jnp.float32)
    o_ref[...] = y + m3


def _dense_mid(partials, a_bd, b_bd, tenc_tile):
    return pl.pallas_call(
        _dense_mid_body,
        out_shape=jax.ShapeDtypeStruct((RL, 128), jnp.float32),
    )(partials, jnp.asarray(_GNP), a_bd, b_bd, tenc_tile)


def _final_body(p_ref, g_ref, tdec_ref, o_ref):
    m012, _ = _lane_masks()
    p = p_ref[0] + p_ref[1]
    spread = jnp.dot(p, g_ref[...], preferred_element_type=jnp.float32)
    scale = jnp.where(spread > 0, 1.0 / jnp.where(spread > 0, spread, 1.0), 0.0)
    o_ref[...] = jax.nn.silu(p * scale * m012 + tdec_ref[...])


def _final(partials, tdec_tile):
    return pl.pallas_call(
        _final_body,
        out_shape=jax.ShapeDtypeStruct((RL, 128), jnp.float32),
    )(partials, jnp.asarray(_GNP), tdec_tile)


def _temb_body(ts_ref, w1_ref, b1_ref, w2_ref, b2_ref, wte_ref, bte_ref,
               wtd_ref, btd_ref, tenc_ref, tdec_ref):
    t = ts_ref[0].astype(jnp.float32)
    half = INNER // 2
    i8 = lax.broadcasted_iota(jnp.int32, (1, half), 1).astype(jnp.float32)
    freqs = jnp.exp(-math.log(10000.0) / half * i8)
    args = t * freqs
    temb = jnp.concatenate([jnp.cos(args), jnp.sin(args)], axis=1)
    emb = jnp.dot(jax.nn.silu(jnp.dot(temb, w1_ref[...],
                                      preferred_element_type=jnp.float32)
                              + b1_ref[...]),
                  w2_ref[...], preferred_element_type=jnp.float32) + b2_ref[...]
    se = jax.nn.silu(emb)
    tenc = jnp.dot(se, wte_ref[...], preferred_element_type=jnp.float32) + bte_ref[...]
    tdec = jnp.dot(se, wtd_ref[...], preferred_element_type=jnp.float32) + btd_ref[...]
    tenc_ref[...] = jnp.tile(tenc, (1, 32))
    tdec4 = jnp.concatenate([tdec, jnp.zeros((1, 1), jnp.float32)], axis=1)
    tdec_ref[...] = jnp.tile(tdec4, (1, 32))


def _temb(timesteps, W1, b1, W2, b2, Wt_enc, bt_enc, Wt_dec, bt_dec):
    return pl.pallas_call(
        _temb_body,
        out_shape=(jax.ShapeDtypeStruct((1, 512), jnp.float32),
                   jax.ShapeDtypeStruct((1, 128), jnp.float32)),
        in_specs=[pl.BlockSpec(memory_space=pltpu.SMEM)] + [pl.BlockSpec()] * 8,
    )(timesteps, W1, b1.reshape(1, TEMB), W2, b2.reshape(1, TEMB),
      Wt_enc, bt_enc.reshape(1, INNER), Wt_dec, bt_dec.reshape(1, 3))


def kernel(x, hyperedge_index, timesteps, W_enc, Wt_enc, bt_enc,
           W_dec, Wt_dec, bt_dec, W1, b1, W2, b2):
    node = hyperedge_index[0]
    edge = hyperedge_index[1]

    pad = E_PAD - E0
    dummy = (N0 + (jnp.arange(pad, dtype=jnp.int32) % R_DUMMY)).astype(jnp.int32)
    node_p = jnp.concatenate([node, dummy])
    edge_p = jnp.concatenate([edge, dummy])

    x_aug = jnp.concatenate([x, jnp.ones((N0, 1), x.dtype)], axis=1)
    x_aug = jnp.concatenate([x_aug, jnp.zeros((R_DUMMY, 4), x.dtype)], axis=0)
    x_aug = x_aug.reshape(NUM_SUBCORES, RPT, 4)
    zeros_tab = jnp.zeros((NUM_SUBCORES, RPT, 4), jnp.float32)

    eye32 = jnp.eye(32, dtype=jnp.float32)
    w_enc4 = jnp.concatenate([W_enc, jnp.zeros((1, INNER), jnp.float32)], axis=0)
    a_bd = jnp.kron(eye32, w_enc4)
    w_dec4 = jnp.concatenate([W_dec, jnp.zeros((INNER, 1), jnp.float32)], axis=1)
    b_bd = jnp.kron(eye32, w_dec4)

    tenc_tile, tdec_tile = _temb(timesteps, W1, b1, W2, b2,
                                 Wt_enc, bt_enc, Wt_dec, bt_dec)

    tab_shape = (NUM_SUBCORES, RPT, 4)
    pa = _sc_propagate(x_aug, node_p, edge_p, zeros_tab)
    ef1 = _combine_scale(pa.reshape(NUM_CORES, RL, 128))
    pb = _sc_propagate(ef1.reshape(tab_shape), edge_p, node_p, zeros_tab)
    y = _dense_mid(pb.reshape(NUM_CORES, RL, 128), a_bd, b_bd, tenc_tile)
    pc = _sc_propagate(y.reshape(tab_shape), node_p, edge_p, zeros_tab)
    ef2 = _combine_scale(pc.reshape(NUM_CORES, RL, 128))
    pd = _sc_propagate(ef2.reshape(tab_shape), edge_p, node_p, zeros_tab)
    o = _final(pd.reshape(NUM_CORES, RL, 128), tdec_tile)
    return o.reshape(NP, 4)[:N0, :3]

# --- scband reference (transcript-rebuilt; emitter-appended) ---
"""Pipeline reference for scband-undo-noise-29394756173834 (READ-ONLY COPY).

The authoritative reference and input builder live on the scoring server;
editing this copy changes nothing except your own understanding.
"""

import jax, jax.numpy as jnp
import numpy as np
import math

N = 100000
E = 1600000
INNER = 16
TEMB = 64


def _timestep_embedding(timesteps, dim):
    # diffusers Timesteps with flip_sin_to_cos=True, downscale_freq_shift=0
    half = dim // 2
    exponent = -math.log(10000.0) * jnp.arange(half, dtype=jnp.float32) / float(half - 0)
    freqs = jnp.exp(exponent)
    args = timesteps.astype(jnp.float32)[:, None] * freqs[None, :]
    emb = jnp.concatenate([jnp.sin(args), jnp.cos(args)], axis=-1)
    emb = jnp.concatenate([emb[:, half:], emb[:, :half]], axis=-1)  # flip sin/cos
    return emb


def _hconv(x, node_idx, edge_idx, num_edges, W):
    # torch_geometric HypergraphConv with use_attention=False (heads collapses to 1), bias=False
    n = x.shape[0]
    xw = x @ W
    hyperedge_weight = jnp.ones((num_edges,), xw.dtype)
    D = jax.ops.segment_sum(hyperedge_weight[edge_idx], node_idx, num_segments=n)
    Dinv = jnp.where(D > 0, 1.0 / D, 0.0)
    Bcnt = jax.ops.segment_sum(jnp.ones((node_idx.shape[0],), xw.dtype), edge_idx, num_segments=num_edges)
    Binv = jnp.where(Bcnt > 0, 1.0 / Bcnt, 0.0)
    # propagate 1: nodes -> hyperedges, message = B[e] * xw[node]
    msg1 = Binv[edge_idx][:, None] * xw[node_idx]
    efeat = jax.ops.segment_sum(msg1, edge_idx, num_segments=num_edges)
    # propagate 2 (flipped): hyperedges -> nodes, message = D[n] * efeat[e]
    msg2 = Dinv[node_idx][:, None] * efeat[edge_idx]
    out = jax.ops.segment_sum(msg2, node_idx, num_segments=n)
    return out


def setup_inputs(seed: int = 0) -> dict:
    key = jax.random.key(seed)
    ks = jax.random.split(key, 12)
    inp = {
        "x": jax.random.normal(ks[0], (N, 3), jnp.float32),
        "hyperedge_index": jax.random.randint(ks[1], (2, E), 0, N, dtype=jnp.int32),
        "timesteps": jax.random.randint(ks[2], (1,), 0, 1000, dtype=jnp.int32),
        "W_enc": jax.random.normal(ks[3], (3, INNER), jnp.float32) * (1.0 / math.sqrt(3.0)),
        "Wt_enc": jax.random.normal(ks[4], (TEMB, INNER), jnp.float32) * (1.0 / math.sqrt(TEMB)),
        "bt_enc": jnp.zeros((INNER,), jnp.float32),
        "W_dec": jax.random.normal(ks[5], (INNER, 3), jnp.float32) * (1.0 / math.sqrt(INNER)),
        "Wt_dec": jax.random.normal(ks[6], (TEMB, 3), jnp.float32) * (1.0 / math.sqrt(TEMB)),
        "bt_dec": jnp.zeros((3,), jnp.float32),
        "W1": jax.random.normal(ks[7], (INNER, TEMB), jnp.float32) * (1.0 / math.sqrt(INNER)),
        "b1": jnp.zeros((TEMB,), jnp.float32),
        "W2": jax.random.normal(ks[8], (TEMB, TEMB), jnp.float32) * (1.0 / math.sqrt(TEMB)),
        "b2": jnp.zeros((TEMB,), jnp.float32),
    }
    return inp


def reference(x, hyperedge_index, timesteps, W_enc, Wt_enc, bt_enc, W_dec, Wt_dec, bt_dec, W1, b1, W2, b2):
    node_idx = hyperedge_index[0]
    edge_idx = hyperedge_index[1]
    num_edges = x.shape[0]
    # time_proj + time_embedding
    t_emb = _timestep_embedding(timesteps, INNER)
    emb = jax.nn.silu(t_emb @ W1 + b1) @ W2 + b2
    # encode AttnBlock
    h = _hconv(x, node_idx, edge_idx, num_edges, W_enc)
    h = h + (jax.nn.silu(emb) @ Wt_enc + bt_enc)
    h = jax.nn.silu(h)
    # decode AttnBlock
    h = _hconv(h, node_idx, edge_idx, num_edges, W_dec)
    h = h + (jax.nn.silu(emb) @ Wt_dec + bt_dec)
    h = jax.nn.silu(h)
    return h

if __name__ == "__main__":
    import jax
    _d = setup_inputs()
    print(jax.jit(kernel)(*tuple(_d.values())))

</pallas_src>

<mosaic_0001>
#map = affine_map<(d0, d1) -> (0, 0, 0)>
#map1 = affine_map<(d0, d1) -> (0)>
#map2 = affine_map<(d0, d1) -> (0, 0, 0, 0)>
module attributes {stable_mosaic.version = 14 : i64} {
  func.func @body(%arg0: i32, %arg1: i32, %arg2: memref<16x6376x4xf32, #tpu.memory_space<hbm>>, %arg3: memref<1638400xi32, #tpu.memory_space<hbm>>, %arg4: memref<1638400xi32, #tpu.memory_space<hbm>>, %arg5: memref<16x6376x4xf32, #tpu.memory_space<hbm>>, %arg6: memref<2x16x6376x4xf32, #tpu.memory_space<hbm>>, %arg7: memref<128xi32, #tpu.memory_space<vmem>>, %arg8: memref<128xi32, #tpu.memory_space<vmem>>, %arg9: memref<128x4xf32, #tpu.memory_space<vmem>>, %arg10: memref<6376x4xf32, #tpu.memory_space<vmem>>, %arg11: memref<102016x4xf32, #tpu.memory_space<vmem_shared>>, %arg12: memref<102016x4xf32, #tpu.memory_space<vmem_shared>>) attributes {dimension_semantics = [#tpu.dimension_semantics<core_parallel>, #tpu.dimension_semantics<subcore_parallel>], iteration_bounds = array<i64: 2, 16>, scalar_prefetch = 0 : i64, scratch_operands = 6 : i64, tpu.core_type = #tpu.core_type<sc_vector_subcore>, window_params = [{transform_indices = #map}, {transform_indices = #map1}, {transform_indices = #map1}, {transform_indices = #map}, {transform_indices = #map2}]} {
    %mul3A = arith.constant 2 : i32
    %mul3A_0 = arith.muli %arg1, %mul3A : i32
    %add3A = arith.addi %mul3A_0, %arg0 : i32
    %mul3A_1 = arith.constant 6376 : i32
    %mul3A_2 = arith.muli %arg1, %mul3A_1 : i32
    "tpu.region"() ({
      %run_scoped3A = tpu.sem_alloc : memref<!tpu.dma_semaphore, #tpu.memory_space<semaphore_mem>>
      %dma_start3A = arith.constant 0 : i32
      %dma_start3A_11 = arith.constant 0 : i32
      %dma_start3A_12 = tpu.memref_slice %arg2[%arg1, %dma_start3A, %dma_start3A_11] : memref<16x6376x4xf32, #tpu.memory_space<hbm>> -> memref<1x6376x4xf32, #tpu.memory_space<hbm>>
      %dma_start3A_13 = tpu.memref_squeeze %dma_start3A_12 : memref<1x6376x4xf32, #tpu.memory_space<hbm>> -> memref<6376x4xf32, #tpu.memory_space<hbm>>
      %dma_start3A_14 = arith.constant 0 : i32
      %dma_start3A_15 = arith.constant 0 : i32
      %dma_start3A_16 = tpu.memref_slice %arg2[%arg1, %dma_start3A_14, %dma_start3A_15] : memref<16x6376x4xf32, #tpu.memory_space<hbm>> -> memref<1x6376x4xf32, #tpu.memory_space<hbm>>
      %dma_start3A_17 = tpu.memref_squeeze %dma_start3A_16 : memref<1x6376x4xf32, #tpu.memory_space<hbm>> -> memref<6376x4xf32, #tpu.memory_space<hbm>>
      tpu.enqueue_dma source(%dma_start3A_17 : memref<6376x4xf32, #tpu.memory_space<hbm>>) target(%arg10 : memref<6376x4xf32, #tpu.memory_space<vmem>>) target_semaphore(%run_scoped3A : memref<!tpu.dma_semaphore, #tpu.memory_space<semaphore_mem>>)
      %dma_wait3A = arith.constant 0 : i32
      %dma_wait3A_18 = arith.constant 0 : i32
      %dma_wait3A_19 = tpu.memref_slice %arg2[%arg1, %dma_wait3A, %dma_wait3A_18] : memref<16x6376x4xf32, #tpu.memory_space<hbm>> -> memref<1x6376x4xf32, #tpu.memory_space<hbm>>
      %dma_wait3A_20 = tpu.memref_squeeze %dma_wait3A_19 : memref<1x6376x4xf32, #tpu.memory_space<hbm>> -> memref<6376x4xf32, #tpu.memory_space<hbm>>
      %dma_wait3A_21 = arith.constant 0 : i32
      %dma_wait3A_22 = arith.constant 0 : i32
      %dma_wait3A_23 = tpu.memref_slice %arg2[%arg1, %dma_wait3A_21, %dma_wait3A_22] : memref<16x6376x4xf32, #tpu.memory_space<hbm>> -> memref<1x6376x4xf32, #tpu.memory_space<hbm>>
      %dma_wait3A_24 = tpu.memref_squeeze %dma_wait3A_23 : memref<1x6376x4xf32, #tpu.memory_space<hbm>> -> memref<6376x4xf32, #tpu.memory_space<hbm>>
      tpu.wait_dma2 semaphore(%run_scoped3A : memref<!tpu.dma_semaphore, #tpu.memory_space<semaphore_mem>>) src(%dma_wait3A_24 : memref<6376x4xf32, #tpu.memory_space<hbm>>) dst(%arg10 : memref<6376x4xf32, #tpu.memory_space<vmem>>)
      tpu.yield
    }) : () -> ()
    "tpu.region"() ({
      %run_scoped3A = tpu.sem_alloc : memref<!tpu.dma_semaphore, #tpu.memory_space<semaphore_mem>>
      %dma_start3A = arith.constant 0 : i32
      %dma_start3A_11 = tpu.memref_slice %arg11[%mul3A_2, %dma_start3A] : memref<102016x4xf32, #tpu.memory_space<vmem_shared>> -> memref<6376x4xf32, #tpu.memory_space<vmem_shared>>
      %dma_start3A_12 = arith.constant 0 : i32
      %dma_start3A_13 = tpu.memref_slice %arg11[%mul3A_2, %dma_start3A_12] : memref<102016x4xf32, #tpu.memory_space<vmem_shared>> -> memref<6376x4xf32, #tpu.memory_space<vmem_shared>>
      tpu.enqueue_dma source(%arg10 : memref<6376x4xf32, #tpu.memory_space<vmem>>) target(%dma_start3A_13 : memref<6376x4xf32, #tpu.memory_space<vmem_shared>>) target_semaphore(%run_scoped3A : memref<!tpu.dma_semaphore, #tpu.memory_space<semaphore_mem>>)
      %dma_wait3A = arith.constant 0 : i32
      %dma_wait3A_14 = tpu.memref_slice %arg11[%mul3A_2, %dma_wait3A] : memref<102016x4xf32, #tpu.memory_space<vmem_shared>> -> memref<6376x4xf32, #tpu.memory_space<vmem_shared>>
      %dma_wait3A_15 = arith.constant 0 : i32
      %dma_wait3A_16 = tpu.memref_slice %arg11[%mul3A_2, %dma_wait3A_15] : memref<102016x4xf32, #tpu.memory_space<vmem_shared>> -> memref<6376x4xf32, #tpu.memory_space<vmem_shared>>
      tpu.wait_dma2 semaphore(%run_scoped3A : memref<!tpu.dma_semaphore, #tpu.memory_space<semaphore_mem>>) src(%arg10 : memref<6376x4xf32, #tpu.memory_space<vmem>>) dst(%dma_wait3A_16 : memref<6376x4xf32, #tpu.memory_space<vmem_shared>>)
      tpu.yield
    }) : () -> ()
    "tpu.region"() ({
      %run_scoped3A = tpu.sem_alloc : memref<!tpu.dma_semaphore, #tpu.memory_space<semaphore_mem>>
      %dma_start3A = arith.constant 0 : i32
      %dma_start3A_11 = arith.constant 0 : i32
      %dma_start3A_12 = tpu.memref_slice %arg5[%arg1, %dma_start3A, %dma_start3A_11] : memref<16x6376x4xf32, #tpu.memory_space<hbm>> -> memref<1x6376x4xf32, #tpu.memory_space<hbm>>
      %dma_start3A_13 = tpu.memref_squeeze %dma_start3A_12 : memref<1x6376x4xf32, #tpu.memory_space<hbm>> -> memref<6376x4xf32, #tpu.memory_space<hbm>>
      %dma_start3A_14 = arith.constant 0 : i32
      %dma_start3A_15 = arith.constant 0 : i32
      %dma_start3A_16 = tpu.memref_slice %arg5[%arg1, %dma_start3A_14, %dma_start3A_15] : memref<16x6376x4xf32, #tpu.memory_space<hbm>> -> memref<1x6376x4xf32, #tpu.memory_space<hbm>>
      %dma_start3A_17 = tpu.memref_squeeze %dma_start3A_16 : memref<1x6376x4xf32, #tpu.memory_space<hbm>> -> memref<6376x4xf32, #tpu.memory_space<hbm>>
      tpu.enqueue_dma source(%dma_start3A_17 : memref<6376x4xf32, #tpu.memory_space<hbm>>) target(%arg10 : memref<6376x4xf32, #tpu.memory_space<vmem>>) target_semaphore(%run_scoped3A : memref<!tpu.dma_semaphore, #tpu.memory_space<semaphore_mem>>)
      %dma_wait3A = arith.constant 0 : i32
      %dma_wait3A_18 = arith.constant 0 : i32
      %dma_wait3A_19 = tpu.memref_slice %arg5[%arg1, %dma_wait3A, %dma_wait3A_18] : memref<16x6376x4xf32, #tpu.memory_space<hbm>> -> memref<1x6376x4xf32, #tpu.memory_space<hbm>>
      %dma_wait3A_20 = tpu.memref_squeeze %dma_wait3A_19 : memref<1x6376x4xf32, #tpu.memory_space<hbm>> -> memref<6376x4xf32, #tpu.memory_space<hbm>>
      %dma_wait3A_21 = arith.constant 0 : i32
      %dma_wait3A_22 = arith.constant 0 : i32
      %dma_wait3A_23 = tpu.memref_slice %arg5[%arg1, %dma_wait3A_21, %dma_wait3A_22] : memref<16x6376x4xf32, #tpu.memory_space<hbm>> -> memref<1x6376x4xf32, #tpu.memory_space<hbm>>
      %dma_wait3A_24 = tpu.memref_squeeze %dma_wait3A_23 : memref<1x6376x4xf32, #tpu.memory_space<hbm>> -> memref<6376x4xf32, #tpu.memory_space<hbm>>
      tpu.wait_dma2 semaphore(%run_scoped3A : memref<!tpu.dma_semaphore, #tpu.memory_space<semaphore_mem>>) src(%dma_wait3A_24 : memref<6376x4xf32, #tpu.memory_space<hbm>>) dst(%arg10 : memref<6376x4xf32, #tpu.memory_space<vmem>>)
      tpu.yield
    }) : () -> ()
    "tpu.region"() ({
      %run_scoped3A = tpu.sem_alloc : memref<!tpu.dma_semaphore, #tpu.memory_space<semaphore_mem>>
      %dma_start3A = arith.constant 0 : i32
      %dma_start3A_11 = tpu.memref_slice %arg12[%mul3A_2, %dma_start3A] : memref<102016x4xf32, #tpu.memory_space<vmem_shared>> -> memref<6376x4xf32, #tpu.memory_space<vmem_shared>>
      %dma_start3A_12 = arith.constant 0 : i32
      %dma_start3A_13 = tpu.memref_slice %arg12[%mul3A_2, %dma_start3A_12] : memref<102016x4xf32, #tpu.memory_space<vmem_shared>> -> memref<6376x4xf32, #tpu.memory_space<vmem_shared>>
      tpu.enqueue_dma source(%arg10 : memref<6376x4xf32, #tpu.memory_space<vmem>>) target(%dma_start3A_13 : memref<6376x4xf32, #tpu.memory_space<vmem_shared>>) target_semaphore(%run_scoped3A : memref<!tpu.dma_semaphore, #tpu.memory_space<semaphore_mem>>)
      %dma_wait3A = arith.constant 0 : i32
      %dma_wait3A_14 = tpu.memref_slice %arg12[%mul3A_2, %dma_wait3A] : memref<102016x4xf32, #tpu.memory_space<vmem_shared>> -> memref<6376x4xf32, #tpu.memory_space<vmem_shared>>
      %dma_wait3A_15 = arith.constant 0 : i32
      %dma_wait3A_16 = tpu.memref_slice %arg12[%mul3A_2, %dma_wait3A_15] : memref<102016x4xf32, #tpu.memory_space<vmem_shared>> -> memref<6376x4xf32, #tpu.memory_space<vmem_shared>>
      tpu.wait_dma2 semaphore(%run_scoped3A : memref<!tpu.dma_semaphore, #tpu.memory_space<semaphore_mem>>) src(%arg10 : memref<6376x4xf32, #tpu.memory_space<vmem>>) dst(%dma_wait3A_16 : memref<6376x4xf32, #tpu.memory_space<vmem_shared>>)
      tpu.yield
    }) : () -> ()
    %barrier3A = arith.constant 0 : index
    tpu.barrier barrier_id(%barrier3A)
    %mul3A_3 = arith.constant 51200 : i32
    %mul3A_4 = arith.muli %add3A, %mul3A_3 : i32
    %scan3A = arith.constant 0 : i32
    %scan3A_5 = arith.constant 0 : i32
    %scan3A_6 = arith.constant 400 : i32
    %scan3A_7 = arith.addi %scan3A_5, %scan3A_6 : i32
    %scan3A_8 = arith.constant 1 : i32
    scf.for %scan3A_11 = %scan3A_5 to %scan3A_7 step %scan3A_8  : i32 {
      %mul3A_12 = arith.constant 128 : i32
      %mul3A_13 = arith.muli %scan3A_11, %mul3A_12 : i32
      %add3A_14 = arith.addi %mul3A_4, %mul3A_13 : i32
      "tpu.region"() ({
        %run_scoped3A = tpu.sem_alloc : memref<!tpu.dma_semaphore, #tpu.memory_space<semaphore_mem>>
        %dma_start3A = tpu.memref_slice %arg3[%add3A_14] : memref<1638400xi32, #tpu.memory_space<hbm>> -> memref<128xi32, #tpu.memory_space<hbm>>
        %dma_start3A_15 = tpu.memref_slice %arg3[%add3A_14] : memref<1638400xi32, #tpu.memory_space<hbm>> -> memref<128xi32, #tpu.memory_space<hbm>>
        tpu.enqueue_dma source(%dma_start3A_15 : memref<128xi32, #tpu.memory_space<hbm>>) target(%arg7 : memref<128xi32, #tpu.memory_space<vmem>>) target_semaphore(%run_scoped3A : memref<!tpu.dma_semaphore, #tpu.memory_space<semaphore_mem>>)
        %dma_wait3A = tpu.memref_slice %arg3[%add3A_14] : memref<1638400xi32, #tpu.memory_space<hbm>> -> memref<128xi32, #tpu.memory_space<hbm>>
        %dma_wait3A_16 = tpu.memref_slice %arg3[%add3A_14] : memref<1638400xi32, #tpu.memory_space<hbm>> -> memref<128xi32, #tpu.memory_space<hbm>>
        tpu.wait_dma2 semaphore(%run_scoped3A : memref<!tpu.dma_semaphore, #tpu.memory_space<semaphore_mem>>) src(%dma_wait3A_16 : memref<128xi32, #tpu.memory_space<hbm>>) dst(%arg7 : memref<128xi32, #tpu.memory_space<vmem>>)
        tpu.yield
      }) : () -> ()
      "tpu.region"() ({
        %run_scoped3A = tpu.sem_alloc : memref<!tpu.dma_semaphore, #tpu.memory_space<semaphore_mem>>
        %dma_start3A = tpu.memref_slice %arg4[%add3A_14] : memref<1638400xi32, #tpu.memory_space<hbm>> -> memref<128xi32, #tpu.memory_space<hbm>>
        %dma_start3A_15 = tpu.memref_slice %arg4[%add3A_14] : memref<1638400xi32, #tpu.memory_space<hbm>> -> memref<128xi32, #tpu.memory_space<hbm>>
        tpu.enqueue_dma source(%dma_start3A_15 : memref<128xi32, #tpu.memory_space<hbm>>) target(%arg8 : memref<128xi32, #tpu.memory_space<vmem>>) target_semaphore(%run_scoped3A : memref<!tpu.dma_semaphore, #tpu.memory_space<semaphore_mem>>)
        %dma_wait3A = tpu.memref_slice %arg4[%add3A_14] : memref<1638400xi32, #tpu.memory_space<hbm>> -> memref<128xi32, #tpu.memory_space<hbm>>
        %dma_wait3A_16 = tpu.memref_slice %arg4[%add3A_14] : memref<1638400xi32, #tpu.memory_space<hbm>> -> memref<128xi32, #tpu.memory_space<hbm>>
        tpu.wait_dma2 semaphore(%run_scoped3A : memref<!tpu.dma_semaphore, #tpu.memory_space<semaphore_mem>>) src(%dma_wait3A_16 : memref<128xi32, #tpu.memory_space<hbm>>) dst(%arg8 : memref<128xi32, #tpu.memory_space<vmem>>)
        tpu.yield
      }) : () -> ()
      "tpu.region"() ({
        %run_scoped3A = tpu.sem_alloc : memref<!tpu.dma_semaphore, #tpu.memory_space<semaphore_mem>>
        %dma_start3A = arith.constant 0 : i32
        %dma_start3A_15 = arith.constant 0 : i32
        %dma_start3A_16 = tpu.memref_slice %arg11[%dma_start3A, %dma_start3A_15] : memref<102016x4xf32, #tpu.memory_space<vmem_shared>> -> memref<102016x4xf32, #tpu.memory_space<vmem_shared>>
        tpu.enqueue_indirect_dma source(%dma_start3A_16 : memref<102016x4xf32, #tpu.memory_space<vmem_shared>>) target(%arg9 : memref<128x4xf32, #tpu.memory_space<vmem>>) offsets(%arg7 : memref<128xi32, #tpu.memory_space<vmem>>) semaphore(%run_scoped3A : memref<!tpu.dma_semaphore, #tpu.memory_space<semaphore_mem>>)
        %dma_wait3A = arith.constant 0 : i32
        %dma_wait3A_17 = arith.constant 0 : i32
        %dma_wait3A_18 = tpu.memref_slice %arg11[%dma_wait3A, %dma_wait3A_17] : memref<102016x4xf32, #tpu.memory_space<vmem_shared>> -> memref<102016x4xf32, #tpu.memory_space<vmem_shared>>
        tpu.wait_indirect_dma semaphore(%run_scoped3A : memref<!tpu.dma_semaphore, #tpu.memory_space<semaphore_mem>>) src(%dma_wait3A_18 : memref<102016x4xf32, #tpu.memory_space<vmem_shared>>) dst(%arg9 : memref<128x4xf32, #tpu.memory_space<vmem>>)
        tpu.yield
      }) : () -> ()
      "tpu.region"() ({
        %run_scoped3A = tpu.sem_alloc : memref<!tpu.dma_semaphore, #tpu.memory_space<semaphore_mem>>
        %dma_start3A = arith.constant 0 : i32
        %dma_start3A_15 = arith.constant 0 : i32
        %dma_start3A_16 = tpu.memref_slice %arg12[%dma_start3A, %dma_start3A_15] : memref<102016x4xf32, #tpu.memory_space<vmem_shared>> -> memref<102016x4xf32, #tpu.memory_space<vmem_shared>>
        tpu.enqueue_indirect_dma source(%arg9 : memref<128x4xf32, #tpu.memory_space<vmem>>) target(%dma_start3A_16 : memref<102016x4xf32, #tpu.memory_space<vmem_shared>>) offsets(%arg8 : memref<128xi32, #tpu.memory_space<vmem>>) semaphore(%run_scoped3A : memref<!tpu.dma_semaphore, #tpu.memory_space<semaphore_mem>>) {add = true}
        %dma_wait3A = arith.constant 0 : i32
        %dma_wait3A_17 = arith.constant 0 : i32
        %dma_wait3A_18 = tpu.memref_slice %arg12[%dma_wait3A, %dma_wait3A_17] : memref<102016x4xf32, #tpu.memory_space<vmem_shared>> -> memref<102016x4xf32, #tpu.memory_space<vmem_shared>>
        tpu.wait_indirect_dma semaphore(%run_scoped3A : memref<!tpu.dma_semaphore, #tpu.memory_space<semaphore_mem>>) src(%arg9 : memref<128x4xf32, #tpu.memory_space<vmem>>) dst(%dma_wait3A_18 : memref<102016x4xf32, #tpu.memory_space<vmem_shared>>)
        tpu.yield
      }) : () -> ()
    }
    %scan3A_9 = arith.constant 400 : i32
    %barrier3A_10 = arith.constant 0 : index
    tpu.barrier barrier_id(%barrier3A_10)
    "tpu.region"() ({
      %run_scoped3A = tpu.sem_alloc : memref<!tpu.dma_semaphore, #tpu.memory_space<semaphore_mem>>
      %dma_start3A = arith.constant 0 : i32
      %dma_start3A_11 = tpu.memref_slice %arg12[%mul3A_2, %dma_start3A] : memref<102016x4xf32, #tpu.memory_space<vmem_shared>> -> memref<6376x4xf32, #tpu.memory_space<vmem_shared>>
      %dma_start3A_12 = arith.constant 0 : i32
      %dma_start3A_13 = tpu.memref_slice %arg12[%mul3A_2, %dma_start3A_12] : memref<102016x4xf32, #tpu.memory_space<vmem_shared>> -> memref<6376x4xf32, #tpu.memory_space<vmem_shared>>
      tpu.enqueue_dma source(%dma_start3A_13 : memref<6376x4xf32, #tpu.memory_space<vmem_shared>>) target(%arg10 : memref<6376x4xf32, #tpu.memory_space<vmem>>) target_semaphore(%run_scoped3A : memref<!tpu.dma_semaphore, #tpu.memory_space<semaphore_mem>>)
      %dma_wait3A = arith.constant 0 : i32
      %dma_wait3A_14 = tpu.memref_slice %arg12[%mul3A_2, %dma_wait3A] : memref<102016x4xf32, #tpu.memory_space<vmem_shared>> -> memref<6376x4xf32, #tpu.memory_space<vmem_shared>>
      %dma_wait3A_15 = arith.constant 0 : i32
      %dma_wait3A_16 = tpu.memref_slice %arg12[%mul3A_2, %dma_wait3A_15] : memref<102016x4xf32, #tpu.memory_space<vmem_shared>> -> memref<6376x4xf32, #tpu.memory_space<vmem_shared>>
      tpu.wait_dma2 semaphore(%run_scoped3A : memref<!tpu.dma_semaphore, #tpu.memory_space<semaphore_mem>>) src(%dma_wait3A_16 : memref<6376x4xf32, #tpu.memory_space<vmem_shared>>) dst(%arg10 : memref<6376x4xf32, #tpu.memory_space<vmem>>)
      tpu.yield
    }) : () -> ()
    "tpu.region"() ({
      %run_scoped3A = tpu.sem_alloc : memref<!tpu.dma_semaphore, #tpu.memory_space<semaphore_mem>>
      %dma_start3A = arith.constant 0 : i32
      %dma_start3A_11 = arith.constant 0 : i32
      %dma_start3A_12 = tpu.memref_slice %arg6[%arg0, %arg1, %dma_start3A, %dma_start3A_11] : memref<2x16x6376x4xf32, #tpu.memory_space<hbm>> -> memref<1x1x6376x4xf32, #tpu.memory_space<hbm>>
      %dma_start3A_13 = tpu.memref_squeeze %dma_start3A_12 : memref<1x1x6376x4xf32, #tpu.memory_space<hbm>> -> memref<6376x4xf32, #tpu.memory_space<hbm>>
      %dma_start3A_14 = arith.constant 0 : i32
      %dma_start3A_15 = arith.constant 0 : i32
      %dma_start3A_16 = tpu.memref_slice %arg6[%arg0, %arg1, %dma_start3A_14, %dma_start3A_15] : memref<2x16x6376x4xf32, #tpu.memory_space<hbm>> -> memref<1x1x6376x4xf32, #tpu.memory_space<hbm>>
      %dma_start3A_17 = tpu.memref_squeeze %dma_start3A_16 : memref<1x1x6376x4xf32, #tpu.memory_space<hbm>> -> memref<6376x4xf32, #tpu.memory_space<hbm>>
      tpu.enqueue_dma source(%arg10 : memref<6376x4xf32, #tpu.memory_space<vmem>>) target(%dma_start3A_17 : memref<6376x4xf32, #tpu.memory_space<hbm>>) target_semaphore(%run_scoped3A : memref<!tpu.dma_semaphore, #tpu.memory_space<semaphore_mem>>)
      %dma_wait3A = arith.constant 0 : i32
      %dma_wait3A_18 = arith.constant 0 : i32
      %dma_wait3A_19 = tpu.memref_slice %arg6[%arg0, %arg1, %dma_wait3A, %dma_wait3A_18] : memref<2x16x6376x4xf32, #tpu.memory_space<hbm>> -> memref<1x1x6376x4xf32, #tpu.memory_space<hbm>>
      %dma_wait3A_20 = tpu.memref_squeeze %dma_wait3A_19 : memref<1x1x6376x4xf32, #tpu.memory_space<hbm>> -> memref<6376x4xf32, #tpu.memory_space<hbm>>
      %dma_wait3A_21 = arith.constant 0 : i32
      %dma_wait3A_22 = arith.constant 0 : i32
      %dma_wait3A_23 = tpu.memref_slice %arg6[%arg0, %arg1, %dma_wait3A_21, %dma_wait3A_22] : memref<2x16x6376x4xf32, #tpu.memory_space<hbm>> -> memref<1x1x6376x4xf32, #tpu.memory_space<hbm>>
      %dma_wait3A_24 = tpu.memref_squeeze %dma_wait3A_23 : memref<1x1x6376x4xf32, #tpu.memory_space<hbm>> -> memref<6376x4xf32, #tpu.memory_space<hbm>>
      tpu.wait_dma2 semaphore(%run_scoped3A : memref<!tpu.dma_semaphore, #tpu.memory_space<semaphore_mem>>) src(%arg10 : memref<6376x4xf32, #tpu.memory_space<vmem>>) dst(%dma_wait3A_24 : memref<6376x4xf32, #tpu.memory_space<hbm>>)
      tpu.yield
    }) : () -> ()
    return
  }
}

#map = affine_map<(d0, d1) -> (0, 0, 0)>
#map1 = affine_map<(d0, d1) -> (0)>
#map2 = affine_map<(d0, d1) -> (0, 0, 0, 0)>
module attributes {stable_mosaic.version = 14 : i64} {
  func.func @body(%arg0: i32, %arg1: i32, %arg2: memref<16x6376x4xf32, #tpu.memory_space<hbm>>, %arg3: memref<1638400xi32, #tpu.memory_space<hbm>>, %arg4: memref<1638400xi32, #tpu.memory_space<hbm>>, %arg5: memref<16x6376x4xf32, #tpu.memory_space<hbm>>, %arg6: memref<2x16x6376x4xf32, #tpu.memory_space<hbm>>, %arg7: memref<128xi32, #tpu.memory_space<vmem>>, %arg8: memref<128xi32, #tpu.memory_space<vmem>>, %arg9: memref<128x4xf32, #tpu.memory_space<vmem>>, %arg10: memref<6376x4xf32, #tpu.memory_space<vmem>>, %arg11: memref<102016x4xf32, #tpu.memory_space<vmem_shared>>, %arg12: memref<102016x4xf32, #tpu.memory_space<vmem_shared>>) attributes {dimension_semantics = [#tpu.dimension_semantics<core_parallel>, #tpu.dimension_semantics<subcore_parallel>], iteration_bounds = array<i64: 2, 16>, scalar_prefetch = 0 : i64, scratch_operands = 6 : i64, tpu.core_type = #tpu.core_type<sc_vector_subcore>, window_params = [{transform_indices = #map}, {transform_indices = #map1}, {transform_indices = #map1}, {transform_indices = #map}, {transform_indices = #map2}]} {
    %mul3A = arith.constant 2 : i32
    %mul3A_0 = arith.muli %arg1, %mul3A : i32
    %add3A = arith.addi %mul3A_0, %arg0 : i32
    %mul3A_1 = arith.constant 6376 : i32
    %mul3A_2 = arith.muli %arg1, %mul3A_1 : i32
    "tpu.region"() ({
      %run_scoped3A = tpu.sem_alloc : memref<!tpu.dma_semaphore, #tpu.memory_space<semaphore_mem>>
      %dma_start3A = arith.constant 0 : i32
      %dma_start3A_11 = arith.constant 0 : i32
      %dma_start3A_12 = tpu.memref_slice %arg2[%arg1, %dma_start3A, %dma_start3A_11] : memref<16x6376x4xf32, #tpu.memory_space<hbm>> -> memref<1x6376x4xf32, #tpu.memory_space<hbm>>
      %dma_start3A_13 = tpu.memref_squeeze %dma_start3A_12 : memref<1x6376x4xf32, #tpu.memory_space<hbm>> -> memref<6376x4xf32, #tpu.memory_space<hbm>>
      %dma_start3A_14 = arith.constant 0 : i32
      %dma_start3A_15 = arith.constant 0 : i32
      %dma_start3A_16 = tpu.memref_slice %arg2[%arg1, %dma_start3A_14, %dma_start3A_15] : memref<16x6376x4xf32, #tpu.memory_space<hbm>> -> memref<1x6376x4xf32, #tpu.memory_space<hbm>>
      %dma_start3A_17 = tpu.memref_squeeze %dma_start3A_16 : memref<1x6376x4xf32, #tpu.memory_space<hbm>> -> memref<6376x4xf32, #tpu.memory_space<hbm>>
      tpu.enqueue_dma source(%dma_start3A_17 : memref<6376x4xf32, #tpu.memory_space<hbm>>) target(%arg10 : memref<6376x4xf32, #tpu.memory_space<vmem>>) target_semaphore(%run_scoped3A : memref<!tpu.dma_semaphore, #tpu.memory_space<semaphore_mem>>)
      %dma_wait3A = arith.constant 0 : i32
      %dma_wait3A_18 = arith.constant 0 : i32
      %dma_wait3A_19 = tpu.memref_slice %arg2[%arg1, %dma_wait3A, %dma_wait3A_18] : memref<16x6376x4xf32, #tpu.memory_space<hbm>> -> memref<1x6376x4xf32, #tpu.memory_space<hbm>>
      %dma_wait3A_20 = tpu.memref_squeeze %dma_wait3A_19 : memref<1x6376x4xf32, #tpu.memory_space<hbm>> -> memref<6376x4xf32, #tpu.memory_space<hbm>>
      %dma_wait3A_21 = arith.constant 0 : i32
      %dma_wait3A_22 = arith.constant 0 : i32
      %dma_wait3A_23 = tpu.memref_slice %arg2[%arg1, %dma_wait3A_21, %dma_wait3A_22] : memref<16x6376x4xf32, #tpu.memory_space<hbm>> -> memref<1x6376x4xf32, #tpu.memory_space<hbm>>
      %dma_wait3A_24 = tpu.memref_squeeze %dma_wait3A_23 : memref<1x6376x4xf32, #tpu.memory_space<hbm>> -> memref<6376x4xf32, #tpu.memory_space<hbm>>
      tpu.wait_dma2 semaphore(%run_scoped3A : memref<!tpu.dma_semaphore, #tpu.memory_space<semaphore_mem>>) src(%dma_wait3A_24 : memref<6376x4xf32, #tpu.memory_space<hbm>>) dst(%arg10 : memref<6376x4xf32, #tpu.memory_space<vmem>>)
      tpu.yield
    }) : () -> ()
    "tpu.region"() ({
      %run_scoped3A = tpu.sem_alloc : memref<!tpu.dma_semaphore, #tpu.memory_space<semaphore_mem>>
      %dma_start3A = arith.constant 0 : i32
      %dma_start3A_11 = tpu.memref_slice %arg11[%mul3A_2, %dma_start3A] : memref<102016x4xf32, #tpu.memory_space<vmem_shared>> -> memref<6376x4xf32, #tpu.memory_space<vmem_shared>>
      %dma_start3A_12 = arith.constant 0 : i32
      %dma_start3A_13 = tpu.memref_slice %arg11[%mul3A_2, %dma_start3A_12] : memref<102016x4xf32, #tpu.memory_space<vmem_shared>> -> memref<6376x4xf32, #tpu.memory_space<vmem_shared>>
      tpu.enqueue_dma source(%arg10 : memref<6376x4xf32, #tpu.memory_space<vmem>>) target(%dma_start3A_13 : memref<6376x4xf32, #tpu.memory_space<vmem_shared>>) target_semaphore(%run_scoped3A : memref<!tpu.dma_semaphore, #tpu.memory_space<semaphore_mem>>)
      %dma_wait3A = arith.constant 0 : i32
      %dma_wait3A_14 = tpu.memref_slice %arg11[%mul3A_2, %dma_wait3A] : memref<102016x4xf32, #tpu.memory_space<vmem_shared>> -> memref<6376x4xf32, #tpu.memory_space<vmem_shared>>
      %dma_wait3A_15 = arith.constant 0 : i32
      %dma_wait3A_16 = tpu.memref_slice %arg11[%mul3A_2, %dma_wait3A_15] : memref<102016x4xf32, #tpu.memory_space<vmem_shared>> -> memref<6376x4xf32, #tpu.memory_space<vmem_shared>>
      tpu.wait_dma2 semaphore(%run_scoped3A : memref<!tpu.dma_semaphore, #tpu.memory_space<semaphore_mem>>) src(%arg10 : memref<6376x4xf32, #tpu.memory_space<vmem>>) dst(%dma_wait3A_16 : memref<6376x4xf32, #tpu.memory_space<vmem_shared>>)
      tpu.yield
    }) : () -> ()
    "tpu.region"() ({
      %run_scoped3A = tpu.sem_alloc : memref<!tpu.dma_semaphore, #tpu.memory_space<semaphore_mem>>
      %dma_start3A = arith.constant 0 : i32
      %dma_start3A_11 = arith.constant 0 : i32
      %dma_start3A_12 = tpu.memref_slice %arg5[%arg1, %dma_start3A, %dma_start3A_11] : memref<16x6376x4xf32, #tpu.memory_space<hbm>> -> memref<1x6376x4xf32, #tpu.memory_space<hbm>>
      %dma_start3A_13 = tpu.memref_squeeze %dma_start3A_12 : memref<1x6376x4xf32, #tpu.memory_space<hbm>> -> memref<6376x4xf32, #tpu.memory_space<hbm>>
      %dma_start3A_14 = arith.constant 0 : i32
      %dma_start3A_15 = arith.constant 0 : i32
      %dma_start3A_16 = tpu.memref_slice %arg5[%arg1, %dma_start3A_14, %dma_start3A_15] : memref<16x6376x4xf32, #tpu.memory_space<hbm>> -> memref<1x6376x4xf32, #tpu.memory_space<hbm>>
      %dma_start3A_17 = tpu.memref_squeeze %dma_start3A_16 : memref<1x6376x4xf32, #tpu.memory_space<hbm>> -> memref<6376x4xf32, #tpu.memory_space<hbm>>
      tpu.enqueue_dma source(%dma_start3A_17 : memref<6376x4xf32, #tpu.memory_space<hbm>>) target(%arg10 : memref<6376x4xf32, #tpu.memory_space<vmem>>) target_semaphore(%run_scoped3A : memref<!tpu.dma_semaphore, #tpu.memory_space<semaphore_mem>>)
      %dma_wait3A = arith.constant 0 : i32
      %dma_wait3A_18 = arith.constant 0 : i32
      %dma_wait3A_19 = tpu.memref_slice %arg5[%arg1, %dma_wait3A, %dma_wait3A_18] : memref<16x6376x4xf32, #tpu.memory_space<hbm>> -> memref<1x6376x4xf32, #tpu.memory_space<hbm>>
      %dma_wait3A_20 = tpu.memref_squeeze %dma_wait3A_19 : memref<1x6376x4xf32, #tpu.memory_space<hbm>> -> memref<6376x4xf32, #tpu.memory_space<hbm>>
      %dma_wait3A_21 = arith.constant 0 : i32
      %dma_wait3A_22 = arith.constant 0 : i32
      %dma_wait3A_23 = tpu.memref_slice %arg5[%arg1, %dma_wait3A_21, %dma_wait3A_22] : memref<16x6376x4xf32, #tpu.memory_space<hbm>> -> memref<1x6376x4xf32, #tpu.memory_space<hbm>>
      %dma_wait3A_24 = tpu.memref_squeeze %dma_wait3A_23 : memref<1x6376x4xf32, #tpu.memory_space<hbm>> -> memref<6376x4xf32, #tpu.memory_space<hbm>>
      tpu.wait_dma2 semaphore(%run_scoped3A : memref<!tpu.dma_semaphore, #tpu.memory_space<semaphore_mem>>) src(%dma_wait3A_24 : memref<6376x4xf32, #tpu.memory_space<hbm>>) dst(%arg10 : memref<6376x4xf32, #tpu.memory_space<vmem>>)
      tpu.yield
    }) : () -> ()
    "tpu.region"() ({
      %run_scoped3A = tpu.sem_alloc : memref<!tpu.dma_semaphore, #tpu.memory_space<semaphore_mem>>
      %dma_start3A = arith.constant 0 : i32
      %dma_start3A_11 = tpu.memref_slice %arg12[%mul3A_2, %dma_start3A] : memref<102016x4xf32, #tpu.memory_space<vmem_shared>> -> memref<6376x4xf32, #tpu.memory_space<vmem_shared>>
      %dma_start3A_12 = arith.constant 0 : i32
      %dma_start3A_13 = tpu.memref_slice %arg12[%mul3A_2, %dma_start3A_12] : memref<102016x4xf32, #tpu.memory_space<vmem_shared>> -> memref<6376x4xf32, #tpu.memory_space<vmem_shared>>
      tpu.enqueue_dma source(%arg10 : memref<6376x4xf32, #tpu.memory_space<vmem>>) target(%dma_start3A_13 : memref<6376x4xf32, #tpu.memory_space<vmem_shared>>) target_semaphore(%run_scoped3A : memref<!tpu.dma_semaphore, #tpu.memory_space<semaphore_mem>>)
      %dma_wait3A = arith.constant 0 : i32
      %dma_wait3A_14 = tpu.memref_slice %arg12[%mul3A_2, %dma_wait3A] : memref<102016x4xf32, #tpu.memory_space<vmem_shared>> -> memref<6376x4xf32, #tpu.memory_space<vmem_shared>>
      %dma_wait3A_15 = arith.constant 0 : i32
      %dma_wait3A_16 = tpu.memref_slice %arg12[%mul3A_2, %dma_wait3A_15] : memref<102016x4xf32, #tpu.memory_space<vmem_shared>> -> memref<6376x4xf32, #tpu.memory_space<vmem_shared>>
      tpu.wait_dma2 semaphore(%run_scoped3A : memref<!tpu.dma_semaphore, #tpu.memory_space<semaphore_mem>>) src(%arg10 : memref<6376x4xf32, #tpu.memory_space<vmem>>) dst(%dma_wait3A_16 : memref<6376x4xf32, #tpu.memory_space<vmem_shared>>)
      tpu.yield
    }) : () -> ()
    %barrier3A = arith.constant 0 : index
    tpu.barrier barrier_id(%barrier3A)
    %mul3A_3 = arith.constant 51200 : i32
    %mul3A_4 = arith.muli %add3A, %mul3A_3 : i32
    %scan3A = arith.constant 0 : i32
    %scan3A_5 = arith.constant 0 : i32
    %scan3A_6 = arith.constant 400 : i32
    %scan3A_7 = arith.addi %scan3A_5, %scan3A_6 : i32
    %scan3A_8 = arith.constant 1 : i32
    scf.for %scan3A_11 = %scan3A_5 to %scan3A_7 step %scan3A_8  : i32 {
      %mul3A_12 = arith.constant 128 : i32
      %mul3A_13 = arith.muli %scan3A_11, %mul3A_12 : i32
      %add3A_14 = arith.addi %mul3A_4, %mul3A_13 : i32
      "tpu.region"() ({
        %run_scoped3A = tpu.sem_alloc : memref<!tpu.dma_semaphore, #tpu.memory_space<semaphore_mem>>
        %dma_start3A = tpu.memref_slice %arg3[%add3A_14] : memref<1638400xi32, #tpu.memory_space<hbm>> -> memref<128xi32, #tpu.memory_space<hbm>>
        %dma_start3A_15 = tpu.memref_slice %arg3[%add3A_14] : memref<1638400xi32, #tpu.memory_space<hbm>> -> memref<128xi32, #tpu.memory_space<hbm>>
        tpu.enqueue_dma source(%dma_start3A_15 : memref<128xi32, #tpu.memory_space<hbm>>) target(%arg7 : memref<128xi32, #tpu.memory_space<vmem>>) target_semaphore(%run_scoped3A : memref<!tpu.dma_semaphore, #tpu.memory_space<semaphore_mem>>)
        %dma_wait3A = tpu.memref_slice %arg3[%add3A_14] : memref<1638400xi32, #tpu.memory_space<hbm>> -> memref<128xi32, #tpu.memory_space<hbm>>
        %dma_wait3A_16 = tpu.memref_slice %arg3[%add3A_14] : memref<1638400xi32, #tpu.memory_space<hbm>> -> memref<128xi32, #tpu.memory_space<hbm>>
        tpu.wait_dma2 semaphore(%run_scoped3A : memref<!tpu.dma_semaphore, #tpu.memory_space<semaphore_mem>>) src(%dma_wait3A_16 : memref<128xi32, #tpu.memory_space<hbm>>) dst(%arg7 : memref<128xi32, #tpu.memory_space<vmem>>)
        tpu.yield
      }) : () -> ()
      "tpu.region"() ({
        %run_scoped3A = tpu.sem_alloc : memref<!tpu.dma_semaphore, #tpu.memory_space<semaphore_mem>>
        %dma_start3A = tpu.memref_slice %arg4[%add3A_14] : memref<1638400xi32, #tpu.memory_space<hbm>> -> memref<128xi32, #tpu.memory_space<hbm>>
        %dma_start3A_15 = tpu.memref_slice %arg4[%add3A_14] : memref<1638400xi32, #tpu.memory_space<hbm>> -> memref<128xi32, #tpu.memory_space<hbm>>
        tpu.enqueue_dma source(%dma_start3A_15 : memref<128xi32, #tpu.memory_space<hbm>>) target(%arg8 : memref<128xi32, #tpu.memory_space<vmem>>) target_semaphore(%run_scoped3A : memref<!tpu.dma_semaphore, #tpu.memory_space<semaphore_mem>>)
        %dma_wait3A = tpu.memref_slice %arg4[%add3A_14] : memref<1638400xi32, #tpu.memory_space<hbm>> -> memref<128xi32, #tpu.memory_space<hbm>>
        %dma_wait3A_16 = tpu.memref_slice %arg4[%add3A_14] : memref<1638400xi32, #tpu.memory_space<hbm>> -> memref<128xi32, #tpu.memory_space<hbm>>
        tpu.wait_dma2 semaphore(%run_scoped3A : memref<!tpu.dma_semaphore, #tpu.memory_space<semaphore_mem>>) src(%dma_wait3A_16 : memref<128xi32, #tpu.memory_space<hbm>>) dst(%arg8 : memref<128xi32, #tpu.memory_space<vmem>>)
        tpu.yield
      }) : () -> ()
      "tpu.region"() ({
        %run_scoped3A = tpu.sem_alloc : memref<!tpu.dma_semaphore, #tpu.memory_space<semaphore_mem>>
        %dma_start3A = arith.constant 0 : i32
        %dma_start3A_15 = arith.constant 0 : i32
        %dma_start3A_16 = tpu.memref_slice %arg11[%dma_start3A, %dma_start3A_15] : memref<102016x4xf32, #tpu.memory_space<vmem_shared>> -> memref<102016x4xf32, #tpu.memory_space<vmem_shared>>
        tpu.enqueue_indirect_dma source(%dma_start3A_16 : memref<102016x4xf32, #tpu.memory_space<vmem_shared>>) target(%arg9 : memref<128x4xf32, #tpu.memory_space<vmem>>) offsets(%arg7 : memref<128xi32, #tpu.memory_space<vmem>>) semaphore(%run_scoped3A : memref<!tpu.dma_semaphore, #tpu.memory_space<semaphore_mem>>)
        %dma_wait3A = arith.constant 0 : i32
        %dma_wait3A_17 = arith.constant 0 : i32
        %dma_wait3A_18 = tpu.memref_slice %arg11[%dma_wait3A, %dma_wait3A_17] : memref<102016x4xf32, #tpu.memory_space<vmem_shared>> -> memref<102016x4xf32, #tpu.memory_space<vmem_shared>>
        tpu.wait_indirect_dma semaphore(%run_scoped3A : memref<!tpu.dma_semaphore, #tpu.memory_space<semaphore_mem>>) src(%dma_wait3A_18 : memref<102016x4xf32, #tpu.memory_space<vmem_shared>>) dst(%arg9 : memref<128x4xf32, #tpu.memory_space<vmem>>)
        tpu.yield
      }) : () -> ()
      "tpu.region"() ({
        %run_scoped3A = tpu.sem_alloc : memref<!tpu.dma_semaphore, #tpu.memory_space<semaphore_mem>>
        %dma_start3A = arith.constant 0 : i32
        %dma_start3A_15 = arith.constant 0 : i32
        %dma_start3A_16 = tpu.memref_slice %arg12[%dma_start3A, %dma_start3A_15] : memref<102016x4xf32, #tpu.memory_space<vmem_shared>> -> memref<102016x4xf32, #tpu.memory_space<vmem_shared>>
        tpu.enqueue_indirect_dma source(%arg9 : memref<128x4xf32, #tpu.memory_space<vmem>>) target(%dma_start3A_16 : memref<102016x4xf32, #tpu.memory_space<vmem_shared>>) offsets(%arg8 : memref<128xi32, #tpu.memory_space<vmem>>) semaphore(%run_scoped3A : memref<!tpu.dma_semaphore, #tpu.memory_space<semaphore_mem>>) {add = true}
        %dma_wait3A = arith.constant 0 : i32
        %dma_wait3A_17 = arith.constant 0 : i32
        %dma_wait3A_18 = tpu.memref_slice %arg12[%dma_wait3A, %dma_wait3A_17] : memref<102016x4xf32, #tpu.memory_space<vmem_shared>> -> memref<102016x4xf32, #tpu.memory_space<vmem_shared>>
        tpu.wait_indirect_dma semaphore(%run_scoped3A : memref<!tpu.dma_semaphore, #tpu.memory_space<semaphore_mem>>) src(%arg9 : memref<128x4xf32, #tpu.memory_space<vmem>>) dst(%dma_wait3A_18 : memref<102016x4xf32, #tpu.memory_space<vmem_shared>>)
        tpu.yield
      }) : () -> ()
    }
    %scan3A_9 = arith.constant 400 : i32
    %barrier3A_10 = arith.constant 0 : index
    tpu.barrier barrier_id(%barrier3A_10)
    "tpu.region"() ({
      %run_scoped3A = tpu.sem_alloc : memref<!tpu.dma_semaphore, #tpu.memory_space<semaphore_mem>>
      %dma_start3A = arith.constant 0 : i32
      %dma_start3A_11 = tpu.memref_slice %arg12[%mul3A_2, %dma_start3A] : memref<102016x4xf32, #tpu.memory_space<vmem_shared>> -> memref<6376x4xf32, #tpu.memory_space<vmem_shared>>
      %dma_start3A_12 = arith.constant 0 : i32
      %dma_start3A_13 = tpu.memref_slice %arg12[%mul3A_2, %dma_start3A_12] : memref<102016x4xf32, #tpu.memory_space<vmem_shared>> -> memref<6376x4xf32, #tpu.memory_space<vmem_shared>>
      tpu.enqueue_dma source(%dma_start3A_13 : memref<6376x4xf32, #tpu.memory_space<vmem_shared>>) target(%arg10 : memref<6376x4xf32, #tpu.memory_space<vmem>>) target_semaphore(%run_scoped3A : memref<!tpu.dma_semaphore, #tpu.memory_space<semaphore_mem>>)
      %dma_wait3A = arith.constant 0 : i32
      %dma_wait3A_14 = tpu.memref_slice %arg12[%mul3A_2, %dma_wait3A] : memref<102016x4xf32, #tpu.memory_space<vmem_shared>> -> memref<6376x4xf32, #tpu.memory_space<vmem_shared>>
      %dma_wait3A_15 = arith.constant 0 : i32
      %dma_wait3A_16 = tpu.memref_slice %arg12[%mul3A_2, %dma_wait3A_15] : memref<102016x4xf32, #tpu.memory_space<vmem_shared>> -> memref<6376x4xf32, #tpu.memory_space<vmem_shared>>
      tpu.wait_dma2 semaphore(%run_scoped3A : memref<!tpu.dma_semaphore, #tpu.memory_space<semaphore_mem>>) src(%dma_wait3A_16 : memref<6376x4xf32, #tpu.memory_space<vmem_shared>>) dst(%arg10 : memref<6376x4xf32, #tpu.memory_space<vmem>>)
      tpu.yield
    }) : () -> ()
    "tpu.region"() ({
      %run_scoped3A = tpu.sem_alloc : memref<!tpu.dma_semaphore, #tpu.memory_space<semaphore_mem>>
      %dma_start3A = arith.constant 0 : i32
      %dma_start3A_11 = arith.constant 0 : i32
      %dma_start3A_12 = tpu.memref_slice %arg6[%arg0, %arg1, %dma_start3A, %dma_start3A_11] : memref<2x16x6376x4xf32, #tpu.memory_space<hbm>> -> memref<1x1x6376x4xf32, #tpu.memory_space<hbm>>
      %dma_start3A_13 = tpu.memref_squeeze %dma_start3A_12 : memref<1x1x6376x4xf32, #tpu.memory_space<hbm>> -> memref<6376x4xf32, #tpu.memory_space<hbm>>
      %dma_start3A_14 = arith.constant 0 : i32
      %dma_start3A_15 = arith.constant 0 : i32
      %dma_start3A_16 = tpu.memref_slice %arg6[%arg0, %arg1, %dma_start3A_14, %dma_start3A_15] : memref<2x16x6376x4xf32, #tpu.memory_space<hbm>> -> memref<1x1x6376x4xf32, #tpu.memory_space<hbm>>
      %dma_start3A_17 = tpu.memref_squeeze %dma_start3A_16 : memref<1x1x6376x4xf32, #tpu.memory_space<hbm>> -> memref<6376x4xf32, #tpu.memory_space<hbm>>
      tpu.enqueue_dma source(%arg10 : memref<6376x4xf32, #tpu.memory_space<vmem>>) target(%dma_start3A_17 : memref<6376x4xf32, #tpu.memory_space<hbm>>) target_semaphore(%run_scoped3A : memref<!tpu.dma_semaphore, #tpu.memory_space<semaphore_mem>>)
      %dma_wait3A = arith.constant 0 : i32
      %dma_wait3A_18 = arith.constant 0 : i32
      %dma_wait3A_19 = tpu.memref_slice %arg6[%arg0, %arg1, %dma_wait3A, %dma_wait3A_18] : memref<2x16x6376x4xf32, #tpu.memory_space<hbm>> -> memref<1x1x6376x4xf32, #tpu.memory_space<hbm>>
      %dma_wait3A_20 = tpu.memref_squeeze %dma_wait3A_19 : memref<1x1x6376x4xf32, #tpu.memory_space<hbm>> -> memref<6376x4xf32, #tpu.memory_space<hbm>>
      %dma_wait3A_21 = arith.constant 0 : i32
      %dma_wait3A_22 = arith.constant 0 : i32
      %dma_wait3A_23 = tpu.memref_slice %arg6[%arg0, %arg1, %dma_wait3A_21, %dma_wait3A_22] : memref<2x16x6376x4xf32, #tpu.memory_space<hbm>> -> memref<1x1x6376x4xf32, #tpu.memory_space<hbm>>
      %dma_wait3A_24 = tpu.memref_squeeze %dma_wait3A_23 : memref<1x1x6376x4xf32, #tpu.memory_space<hbm>> -> memref<6376x4xf32, #tpu.memory_space<hbm>>
      tpu.wait_dma2 semaphore(%run_scoped3A : memref<!tpu.dma_semaphore, #tpu.memory_space<semaphore_mem>>) src(%arg10 : memref<6376x4xf32, #tpu.memory_space<vmem>>) dst(%dma_wait3A_24 : memref<6376x4xf32, #tpu.memory_space<hbm>>)
      tpu.yield
    }) : () -> ()
    return
  }
}

#map = affine_map<(d0, d1) -> (0, 0, 0)>
#map1 = affine_map<(d0, d1) -> (0)>
#map2 = affine_map<(d0, d1) -> (0, 0, 0, 0)>
module attributes {stable_mosaic.version = 14 : i64} {
  func.func @body(%arg0: i32, %arg1: i32, %arg2: memref<16x6376x4xf32, #tpu.memory_space<hbm>>, %arg3: memref<1638400xi32, #tpu.memory_space<hbm>>, %arg4: memref<1638400xi32, #tpu.memory_space<hbm>>, %arg5: memref<16x6376x4xf32, #tpu.memory_space<hbm>>, %arg6: memref<2x16x6376x4xf32, #tpu.memory_space<hbm>>, %arg7: memref<128xi32, #tpu.memory_space<vmem>>, %arg8: memref<128xi32, #tpu.memory_space<vmem>>, %arg9: memref<128x4xf32, #tpu.memory_space<vmem>>, %arg10: memref<6376x4xf32, #tpu.memory_space<vmem>>, %arg11: memref<102016x4xf32, #tpu.memory_space<vmem_shared>>, %arg12: memref<102016x4xf32, #tpu.memory_space<vmem_shared>>) attributes {dimension_semantics = [#tpu.dimension_semantics<core_parallel>, #tpu.dimension_semantics<subcore_parallel>], iteration_bounds = array<i64: 2, 16>, scalar_prefetch = 0 : i64, scratch_operands = 6 : i64, tpu.core_type = #tpu.core_type<sc_vector_subcore>, window_params = [{transform_indices = #map}, {transform_indices = #map1}, {transform_indices = #map1}, {transform_indices = #map}, {transform_indices = #map2}]} {
    %mul3A = arith.constant 2 : i32
    %mul3A_0 = arith.muli %arg1, %mul3A : i32
    %add3A = arith.addi %mul3A_0, %arg0 : i32
    %mul3A_1 = arith.constant 6376 : i32
    %mul3A_2 = arith.muli %arg1, %mul3A_1 : i32
    "tpu.region"() ({
      %run_scoped3A = tpu.sem_alloc : memref<!tpu.dma_semaphore, #tpu.memory_space<semaphore_mem>>
      %dma_start3A = arith.constant 0 : i32
      %dma_start3A_11 = arith.constant 0 : i32
      %dma_start3A_12 = tpu.memref_slice %arg2[%arg1, %dma_start3A, %dma_start3A_11] : memref<16x6376x4xf32, #tpu.memory_space<hbm>> -> memref<1x6376x4xf32, #tpu.memory_space<hbm>>
      %dma_start3A_13 = tpu.memref_squeeze %dma_start3A_12 : memref<1x6376x4xf32, #tpu.memory_space<hbm>> -> memref<6376x4xf32, #tpu.memory_space<hbm>>
      %dma_start3A_14 = arith.constant 0 : i32
      %dma_start3A_15 = arith.constant 0 : i32
      %dma_start3A_16 = tpu.memref_slice %arg2[%arg1, %dma_start3A_14, %dma_start3A_15] : memref<16x6376x4xf32, #tpu.memory_space<hbm>> -> memref<1x6376x4xf32, #tpu.memory_space<hbm>>
      %dma_start3A_17 = tpu.memref_squeeze %dma_start3A_16 : memref<1x6376x4xf32, #tpu.memory_space<hbm>> -> memref<6376x4xf32, #tpu.memory_space<hbm>>
      tpu.enqueue_dma source(%dma_start3A_17 : memref<6376x4xf32, #tpu.memory_space<hbm>>) target(%arg10 : memref<6376x4xf32, #tpu.memory_space<vmem>>) target_semaphore(%run_scoped3A : memref<!tpu.dma_semaphore, #tpu.memory_space<semaphore_mem>>)
      %dma_wait3A = arith.constant 0 : i32
      %dma_wait3A_18 = arith.constant 0 : i32
      %dma_wait3A_19 = tpu.memref_slice %arg2[%arg1, %dma_wait3A, %dma_wait3A_18] : memref<16x6376x4xf32, #tpu.memory_space<hbm>> -> memref<1x6376x4xf32, #tpu.memory_space<hbm>>
      %dma_wait3A_20 = tpu.memref_squeeze %dma_wait3A_19 : memref<1x6376x4xf32, #tpu.memory_space<hbm>> -> memref<6376x4xf32, #tpu.memory_space<hbm>>
      %dma_wait3A_21 = arith.constant 0 : i32
      %dma_wait3A_22 = arith.constant 0 : i32
      %dma_wait3A_23 = tpu.memref_slice %arg2[%arg1, %dma_wait3A_21, %dma_wait3A_22] : memref<16x6376x4xf32, #tpu.memory_space<hbm>> -> memref<1x6376x4xf32, #tpu.memory_space<hbm>>
      %dma_wait3A_24 = tpu.memref_squeeze %dma_wait3A_23 : memref<1x6376x4xf32, #tpu.memory_space<hbm>> -> memref<6376x4xf32, #tpu.memory_space<hbm>>
      tpu.wait_dma2 semaphore(%run_scoped3A : memref<!tpu.dma_semaphore, #tpu.memory_space<semaphore_mem>>) src(%dma_wait3A_24 : memref<6376x4xf32, #tpu.memory_space<hbm>>) dst(%arg10 : memref<6376x4xf32, #tpu.memory_space<vmem>>)
      tpu.yield
    }) : () -> ()
    "tpu.region"() ({
      %run_scoped3A = tpu.sem_alloc : memref<!tpu.dma_semaphore, #tpu.memory_space<semaphore_mem>>
      %dma_start3A = arith.constant 0 : i32
      %dma_start3A_11 = tpu.memref_slice %arg11[%mul3A_2, %dma_start3A] : memref<102016x4xf32, #tpu.memory_space<vmem_shared>> -> memref<6376x4xf32, #tpu.memory_space<vmem_shared>>
      %dma_start3A_12 = arith.constant 0 : i32
      %dma_start3A_13 = tpu.memref_slice %arg11[%mul3A_2, %dma_start3A_12] : memref<102016x4xf32, #tpu.memory_space<vmem_shared>> -> memref<6376x4xf32, #tpu.memory_space<vmem_shared>>
      tpu.enqueue_dma source(%arg10 : memref<6376x4xf32, #tpu.memory_space<vmem>>) target(%dma_start3A_13 : memref<6376x4xf32, #tpu.memory_space<vmem_shared>>) target_semaphore(%run_scoped3A : memref<!tpu.dma_semaphore, #tpu.memory_space<semaphore_mem>>)
      %dma_wait3A = arith.constant 0 : i32
      %dma_wait3A_14 = tpu.memref_slice %arg11[%mul3A_2, %dma_wait3A] : memref<102016x4xf32, #tpu.memory_space<vmem_shared>> -> memref<6376x4xf32, #tpu.memory_space<vmem_shared>>
      %dma_wait3A_15 = arith.constant 0 : i32
      %dma_wait3A_16 = tpu.memref_slice %arg11[%mul3A_2, %dma_wait3A_15] : memref<102016x4xf32, #tpu.memory_space<vmem_shared>> -> memref<6376x4xf32, #tpu.memory_space<vmem_shared>>
      tpu.wait_dma2 semaphore(%run_scoped3A : memref<!tpu.dma_semaphore, #tpu.memory_space<semaphore_mem>>) src(%arg10 : memref<6376x4xf32, #tpu.memory_space<vmem>>) dst(%dma_wait3A_16 : memref<6376x4xf32, #tpu.memory_space<vmem_shared>>)
      tpu.yield
    }) : () -> ()
    "tpu.region"() ({
      %run_scoped3A = tpu.sem_alloc : memref<!tpu.dma_semaphore, #tpu.memory_space<semaphore_mem>>
      %dma_start3A = arith.constant 0 : i32
      %dma_start3A_11 = arith.constant 0 : i32
      %dma_start3A_12 = tpu.memref_slice %arg5[%arg1, %dma_start3A, %dma_start3A_11] : memref<16x6376x4xf32, #tpu.memory_space<hbm>> -> memref<1x6376x4xf32, #tpu.memory_space<hbm>>
      %dma_start3A_13 = tpu.memref_squeeze %dma_start3A_12 : memref<1x6376x4xf32, #tpu.memory_space<hbm>> -> memref<6376x4xf32, #tpu.memory_space<hbm>>
      %dma_start3A_14 = arith.constant 0 : i32
      %dma_start3A_15 = arith.constant 0 : i32
      %dma_start3A_16 = tpu.memref_slice %arg5[%arg1, %dma_start3A_14, %dma_start3A_15] : memref<16x6376x4xf32, #tpu.memory_space<hbm>> -> memref<1x6376x4xf32, #tpu.memory_space<hbm>>
      %dma_start3A_17 = tpu.memref_squeeze %dma_start3A_16 : memref<1x6376x4xf32, #tpu.memory_space<hbm>> -> memref<6376x4xf32, #tpu.memory_space<hbm>>
      tpu.enqueue_dma source(%dma_start3A_17 : memref<6376x4xf32, #tpu.memory_space<hbm>>) target(%arg10 : memref<6376x4xf32, #tpu.memory_space<vmem>>) target_semaphore(%run_scoped3A : memref<!tpu.dma_semaphore, #tpu.memory_space<semaphore_mem>>)
      %dma_wait3A = arith.constant 0 : i32
      %dma_wait3A_18 = arith.constant 0 : i32
      %dma_wait3A_19 = tpu.memref_slice %arg5[%arg1, %dma_wait3A, %dma_wait3A_18] : memref<16x6376x4xf32, #tpu.memory_space<hbm>> -> memref<1x6376x4xf32, #tpu.memory_space<hbm>>
      %dma_wait3A_20 = tpu.memref_squeeze %dma_wait3A_19 : memref<1x6376x4xf32, #tpu.memory_space<hbm>> -> memref<6376x4xf32, #tpu.memory_space<hbm>>
      %dma_wait3A_21 = arith.constant 0 : i32
      %dma_wait3A_22 = arith.constant 0 : i32
      %dma_wait3A_23 = tpu.memref_slice %arg5[%arg1, %dma_wait3A_21, %dma_wait3A_22] : memref<16x6376x4xf32, #tpu.memory_space<hbm>> -> memref<1x6376x4xf32, #tpu.memory_space<hbm>>
      %dma_wait3A_24 = tpu.memref_squeeze %dma_wait3A_23 : memref<1x6376x4xf32, #tpu.memory_space<hbm>> -> memref<6376x4xf32, #tpu.memory_space<hbm>>
      tpu.wait_dma2 semaphore(%run_scoped3A : memref<!tpu.dma_semaphore, #tpu.memory_space<semaphore_mem>>) src(%dma_wait3A_24 : memref<6376x4xf32, #tpu.memory_space<hbm>>) dst(%arg10 : memref<6376x4xf32, #tpu.memory_space<vmem>>)
      tpu.yield
    }) : () -> ()
    "tpu.region"() ({
      %run_scoped3A = tpu.sem_alloc : memref<!tpu.dma_semaphore, #tpu.memory_space<semaphore_mem>>
      %dma_start3A = arith.constant 0 : i32
      %dma_start3A_11 = tpu.memref_slice %arg12[%mul3A_2, %dma_start3A] : memref<102016x4xf32, #tpu.memory_space<vmem_shared>> -> memref<6376x4xf32, #tpu.memory_space<vmem_shared>>
      %dma_start3A_12 = arith.constant 0 : i32
      %dma_start3A_13 = tpu.memref_slice %arg12[%mul3A_2, %dma_start3A_12] : memref<102016x4xf32, #tpu.memory_space<vmem_shared>> -> memref<6376x4xf32, #tpu.memory_space<vmem_shared>>
      tpu.enqueue_dma source(%arg10 : memref<6376x4xf32, #tpu.memory_space<vmem>>) target(%dma_start3A_13 : memref<6376x4xf32, #tpu.memory_space<vmem_shared>>) target_semaphore(%run_scoped3A : memref<!tpu.dma_semaphore, #tpu.memory_space<semaphore_mem>>)
      %dma_wait3A = arith.constant 0 : i32
      %dma_wait3A_14 = tpu.memref_slice %arg12[%mul3A_2, %dma_wait3A] : memref<102016x4xf32, #tpu.memory_space<vmem_shared>> -> memref<6376x4xf32, #tpu.memory_space<vmem_shared>>
      %dma_wait3A_15 = arith.constant 0 : i32
      %dma_wait3A_16 = tpu.memref_slice %arg12[%mul3A_2, %dma_wait3A_15] : memref<102016x4xf32, #tpu.memory_space<vmem_shared>> -> memref<6376x4xf32, #tpu.memory_space<vmem_shared>>
      tpu.wait_dma2 semaphore(%run_scoped3A : memref<!tpu.dma_semaphore, #tpu.memory_space<semaphore_mem>>) src(%arg10 : memref<6376x4xf32, #tpu.memory_space<vmem>>) dst(%dma_wait3A_16 : memref<6376x4xf32, #tpu.memory_space<vmem_shared>>)
      tpu.yield
    }) : () -> ()
    %barrier3A = arith.constant 0 : index
    tpu.barrier barrier_id(%barrier3A)
    %mul3A_3 = arith.constant 51200 : i32
    %mul3A_4 = arith.muli %add3A, %mul3A_3 : i32
    %scan3A = arith.constant 0 : i32
    %scan3A_5 = arith.constant 0 : i32
    %scan3A_6 = arith.constant 400 : i32
    %scan3A_7 = arith.addi %scan3A_5, %scan3A_6 : i32
    %scan3A_8 = arith.constant 1 : i32
    scf.for %scan3A_11 = %scan3A_5 to %scan3A_7 step %scan3A_8  : i32 {
      %mul3A_12 = arith.constant 128 : i32
      %mul3A_13 = arith.muli %scan3A_11, %mul3A_12 : i32
      %add3A_14 = arith.addi %mul3A_4, %mul3A_13 : i32
      "tpu.region"() ({
        %run_scoped3A = tpu.sem_alloc : memref<!tpu.dma_semaphore, #tpu.memory_space<semaphore_mem>>
        %dma_start3A = tpu.memref_slice %arg3[%add3A_14] : memref<1638400xi32, #tpu.memory_space<hbm>> -> memref<128xi32, #tpu.memory_space<hbm>>
        %dma_start3A_15 = tpu.memref_slice %arg3[%add3A_14] : memref<1638400xi32, #tpu.memory_space<hbm>> -> memref<128xi32, #tpu.memory_space<hbm>>
        tpu.enqueue_dma source(%dma_start3A_15 : memref<128xi32, #tpu.memory_space<hbm>>) target(%arg7 : memref<128xi32, #tpu.memory_space<vmem>>) target_semaphore(%run_scoped3A : memref<!tpu.dma_semaphore, #tpu.memory_space<semaphore_mem>>)
        %dma_wait3A = tpu.memref_slice %arg3[%add3A_14] : memref<1638400xi32, #tpu.memory_space<hbm>> -> memref<128xi32, #tpu.memory_space<hbm>>
        %dma_wait3A_16 = tpu.memref_slice %arg3[%add3A_14] : memref<1638400xi32, #tpu.memory_space<hbm>> -> memref<128xi32, #tpu.memory_space<hbm>>
        tpu.wait_dma2 semaphore(%run_scoped3A : memref<!tpu.dma_semaphore, #tpu.memory_space<semaphore_mem>>) src(%dma_wait3A_16 : memref<128xi32, #tpu.memory_space<hbm>>) dst(%arg7 : memref<128xi32, #tpu.memory_space<vmem>>)
        tpu.yield
      }) : () -> ()
      "tpu.region"() ({
        %run_scoped3A = tpu.sem_alloc : memref<!tpu.dma_semaphore, #tpu.memory_space<semaphore_mem>>
        %dma_start3A = tpu.memref_slice %arg4[%add3A_14] : memref<1638400xi32, #tpu.memory_space<hbm>> -> memref<128xi32, #tpu.memory_space<hbm>>
        %dma_start3A_15 = tpu.memref_slice %arg4[%add3A_14] : memref<1638400xi32, #tpu.memory_space<hbm>> -> memref<128xi32, #tpu.memory_space<hbm>>
        tpu.enqueue_dma source(%dma_start3A_15 : memref<128xi32, #tpu.memory_space<hbm>>) target(%arg8 : memref<128xi32, #tpu.memory_space<vmem>>) target_semaphore(%run_scoped3A : memref<!tpu.dma_semaphore, #tpu.memory_space<semaphore_mem>>)
        %dma_wait3A = tpu.memref_slice %arg4[%add3A_14] : memref<1638400xi32, #tpu.memory_space<hbm>> -> memref<128xi32, #tpu.memory_space<hbm>>
        %dma_wait3A_16 = tpu.memref_slice %arg4[%add3A_14] : memref<1638400xi32, #tpu.memory_space<hbm>> -> memref<128xi32, #tpu.memory_space<hbm>>
        tpu.wait_dma2 semaphore(%run_scoped3A : memref<!tpu.dma_semaphore, #tpu.memory_space<semaphore_mem>>) src(%dma_wait3A_16 : memref<128xi32, #tpu.memory_space<hbm>>) dst(%arg8 : memref<128xi32, #tpu.memory_space<vmem>>)
        tpu.yield
      }) : () -> ()
      "tpu.region"() ({
        %run_scoped3A = tpu.sem_alloc : memref<!tpu.dma_semaphore, #tpu.memory_space<semaphore_mem>>
        %dma_start3A = arith.constant 0 : i32
        %dma_start3A_15 = arith.constant 0 : i32
        %dma_start3A_16 = tpu.memref_slice %arg11[%dma_start3A, %dma_start3A_15] : memref<102016x4xf32, #tpu.memory_space<vmem_shared>> -> memref<102016x4xf32, #tpu.memory_space<vmem_shared>>
        tpu.enqueue_indirect_dma source(%dma_start3A_16 : memref<102016x4xf32, #tpu.memory_space<vmem_shared>>) target(%arg9 : memref<128x4xf32, #tpu.memory_space<vmem>>) offsets(%arg7 : memref<128xi32, #tpu.memory_space<vmem>>) semaphore(%run_scoped3A : memref<!tpu.dma_semaphore, #tpu.memory_space<semaphore_mem>>)
        %dma_wait3A = arith.constant 0 : i32
        %dma_wait3A_17 = arith.constant 0 : i32
        %dma_wait3A_18 = tpu.memref_slice %arg11[%dma_wait3A, %dma_wait3A_17] : memref<102016x4xf32, #tpu.memory_space<vmem_shared>> -> memref<102016x4xf32, #tpu.memory_space<vmem_shared>>
        tpu.wait_indirect_dma semaphore(%run_scoped3A : memref<!tpu.dma_semaphore, #tpu.memory_space<semaphore_mem>>) src(%dma_wait3A_18 : memref<102016x4xf32, #tpu.memory_space<vmem_shared>>) dst(%arg9 : memref<128x4xf32, #tpu.memory_space<vmem>>)
        tpu.yield
      }) : () -> ()
      "tpu.region"() ({
        %run_scoped3A = tpu.sem_alloc : memref<!tpu.dma_semaphore, #tpu.memory_space<semaphore_mem>>
        %dma_start3A = arith.constant 0 : i32
        %dma_start3A_15 = arith.constant 0 : i32
        %dma_start3A_16 = tpu.memref_slice %arg12[%dma_start3A, %dma_start3A_15] : memref<102016x4xf32, #tpu.memory_space<vmem_shared>> -> memref<102016x4xf32, #tpu.memory_space<vmem_shared>>
        tpu.enqueue_indirect_dma source(%arg9 : memref<128x4xf32, #tpu.memory_space<vmem>>) target(%dma_start3A_16 : memref<102016x4xf32, #tpu.memory_space<vmem_shared>>) offsets(%arg8 : memref<128xi32, #tpu.memory_space<vmem>>) semaphore(%run_scoped3A : memref<!tpu.dma_semaphore, #tpu.memory_space<semaphore_mem>>) {add = true}
        %dma_wait3A = arith.constant 0 : i32
        %dma_wait3A_17 = arith.constant 0 : i32
        %dma_wait3A_18 = tpu.memref_slice %arg12[%dma_wait3A, %dma_wait3A_17] : memref<102016x4xf32, #tpu.memory_space<vmem_shared>> -> memref<102016x4xf32, #tpu.memory_space<vmem_shared>>
        tpu.wait_indirect_dma semaphore(%run_scoped3A : memref<!tpu.dma_semaphore, #tpu.memory_space<semaphore_mem>>) src(%arg9 : memref<128x4xf32, #tpu.memory_space<vmem>>) dst(%dma_wait3A_18 : memref<102016x4xf32, #tpu.memory_space<vmem_shared>>)
        tpu.yield
      }) : () -> ()
    }
    %scan3A_9 = arith.constant 400 : i32
    %barrier3A_10 = arith.constant 0 : index
    tpu.barrier barrier_id(%barrier3A_10)
    "tpu.region"() ({
      %run_scoped3A = tpu.sem_alloc : memref<!tpu.dma_semaphore, #tpu.memory_space<semaphore_mem>>
      %dma_start3A = arith.constant 0 : i32
      %dma_start3A_11 = tpu.memref_slice %arg12[%mul3A_2, %dma_start3A] : memref<102016x4xf32, #tpu.memory_space<vmem_shared>> -> memref<6376x4xf32, #tpu.memory_space<vmem_shared>>
      %dma_start3A_12 = arith.constant 0 : i32
      %dma_start3A_13 = tpu.memref_slice %arg12[%mul3A_2, %dma_start3A_12] : memref<102016x4xf32, #tpu.memory_space<vmem_shared>> -> memref<6376x4xf32, #tpu.memory_space<vmem_shared>>
      tpu.enqueue_dma source(%dma_start3A_13 : memref<6376x4xf32, #tpu.memory_space<vmem_shared>>) target(%arg10 : memref<6376x4xf32, #tpu.memory_space<vmem>>) target_semaphore(%run_scoped3A : memref<!tpu.dma_semaphore, #tpu.memory_space<semaphore_mem>>)
      %dma_wait3A = arith.constant 0 : i32
      %dma_wait3A_14 = tpu.memref_slice %arg12[%mul3A_2, %dma_wait3A] : memref<102016x4xf32, #tpu.memory_space<vmem_shared>> -> memref<6376x4xf32, #tpu.memory_space<vmem_shared>>
      %dma_wait3A_15 = arith.constant 0 : i32
      %dma_wait3A_16 = tpu.memref_slice %arg12[%mul3A_2, %dma_wait3A_15] : memref<102016x4xf32, #tpu.memory_space<vmem_shared>> -> memref<6376x4xf32, #tpu.memory_space<vmem_shared>>
      tpu.wait_dma2 semaphore(%run_scoped3A : memref<!tpu.dma_semaphore, #tpu.memory_space<semaphore_mem>>) src(%dma_wait3A_16 : memref<6376x4xf32, #tpu.memory_space<vmem_shared>>) dst(%arg10 : memref<6376x4xf32, #tpu.memory_space<vmem>>)
      tpu.yield
    }) : () -> ()
    "tpu.region"() ({
      %run_scoped3A = tpu.sem_alloc : memref<!tpu.dma_semaphore, #tpu.memory_space<semaphore_mem>>
      %dma_start3A = arith.constant 0 : i32
      %dma_start3A_11 = arith.constant 0 : i32
      %dma_start3A_12 = tpu.memref_slice %arg6[%arg0, %arg1, %dma_start3A, %dma_start3A_11] : memref<2x16x6376x4xf32, #tpu.memory_space<hbm>> -> memref<1x1x6376x4xf32, #tpu.memory_space<hbm>>
      %dma_start3A_13 = tpu.memref_squeeze %dma_start3A_12 : memref<1x1x6376x4xf32, #tpu.memory_space<hbm>> -> memref<6376x4xf32, #tpu.memory_space<hbm>>
      %dma_start3A_14 = arith.constant 0 : i32
      %dma_start3A_15 = arith.constant 0 : i32
      %dma_start3A_16 = tpu.memref_slice %arg6[%arg0, %arg1, %dma_start3A_14, %dma_start3A_15] : memref<2x16x6376x4xf32, #tpu.memory_space<hbm>> -> memref<1x1x6376x4xf32, #tpu.memory_space<hbm>>
      %dma_start3A_17 = tpu.memref_squeeze %dma_start3A_16 : memref<1x1x6376x4xf32, #tpu.memory_space<hbm>> -> memref<6376x4xf32, #tpu.memory_space<hbm>>
      tpu.enqueue_dma source(%arg10 : memref<6376x4xf32, #tpu.memory_space<vmem>>) target(%dma_start3A_17 : memref<6376x4xf32, #tpu.memory_space<hbm>>) target_semaphore(%run_scoped3A : memref<!tpu.dma_semaphore, #tpu.memory_space<semaphore_mem>>)
      %dma_wait3A = arith.constant 0 : i32
      %dma_wait3A_18 = arith.constant 0 : i32
      %dma_wait3A_19 = tpu.memref_slice %arg6[%arg0, %arg1, %dma_wait3A, %dma_wait3A_18] : memref<2x16x6376x4xf32, #tpu.memory_space<hbm>> -> memref<1x1x6376x4xf32, #tpu.memory_space<hbm>>
      %dma_wait3A_20 = tpu.memref_squeeze %dma_wait3A_19 : memref<1x1x6376x4xf32, #tpu.memory_space<hbm>> -> memref<6376x4xf32, #tpu.memory_space<hbm>>
      %dma_wait3A_21 = arith.constant 0 : i32
      %dma_wait3A_22 = arith.constant 0 : i32
      %dma_wait3A_23 = tpu.memref_slice %arg6[%arg0, %arg1, %dma_wait3A_21, %dma_wait3A_22] : memref<2x16x6376x4xf32, #tpu.memory_space<hbm>> -> memref<1x1x6376x4xf32, #tpu.memory_space<hbm>>
      %dma_wait3A_24 = tpu.memref_squeeze %dma_wait3A_23 : memref<1x1x6376x4xf32, #tpu.memory_space<hbm>> -> memref<6376x4xf32, #tpu.memory_space<hbm>>
      tpu.wait_dma2 semaphore(%run_scoped3A : memref<!tpu.dma_semaphore, #tpu.memory_space<semaphore_mem>>) src(%arg10 : memref<6376x4xf32, #tpu.memory_space<vmem>>) dst(%dma_wait3A_24 : memref<6376x4xf32, #tpu.memory_space<hbm>>)
      tpu.yield
    }) : () -> ()
    return
  }
}

#map = affine_map<(d0, d1) -> (0, 0, 0)>
#map1 = affine_map<(d0, d1) -> (0)>
#map2 = affine_map<(d0, d1) -> (0, 0, 0, 0)>
module attributes {stable_mosaic.version = 14 : i64} {
  func.func @body(%arg0: i32, %arg1: i32, %arg2: memref<16x6376x4xf32, #tpu.memory_space<hbm>>, %arg3: memref<1638400xi32, #tpu.memory_space<hbm>>, %arg4: memref<1638400xi32, #tpu.memory_space<hbm>>, %arg5: memref<16x6376x4xf32, #tpu.memory_space<hbm>>, %arg6: memref<2x16x6376x4xf32, #tpu.memory_space<hbm>>, %arg7: memref<128xi32, #tpu.memory_space<vmem>>, %arg8: memref<128xi32, #tpu.memory_space<vmem>>, %arg9: memref<128x4xf32, #tpu.memory_space<vmem>>, %arg10: memref<6376x4xf32, #tpu.memory_space<vmem>>, %arg11: memref<102016x4xf32, #tpu.memory_space<vmem_shared>>, %arg12: memref<102016x4xf32, #tpu.memory_space<vmem_shared>>) attributes {dimension_semantics = [#tpu.dimension_semantics<core_parallel>, #tpu.dimension_semantics<subcore_parallel>], iteration_bounds = array<i64: 2, 16>, scalar_prefetch = 0 : i64, scratch_operands = 6 : i64, tpu.core_type = #tpu.core_type<sc_vector_subcore>, window_params = [{transform_indices = #map}, {transform_indices = #map1}, {transform_indices = #map1}, {transform_indices = #map}, {transform_indices = #map2}]} {
    %mul3A = arith.constant 2 : i32
    %mul3A_0 = arith.muli %arg1, %mul3A : i32
    %add3A = arith.addi %mul3A_0, %arg0 : i32
    %mul3A_1 = arith.constant 6376 : i32
    %mul3A_2 = arith.muli %arg1, %mul3A_1 : i32
    "tpu.region"() ({
      %run_scoped3A = tpu.sem_alloc : memref<!tpu.dma_semaphore, #tpu.memory_space<semaphore_mem>>
      %dma_start3A = arith.constant 0 : i32
      %dma_start3A_11 = arith.constant 0 : i32
      %dma_start3A_12 = tpu.memref_slice %arg2[%arg1, %dma_start3A, %dma_start3A_11] : memref<16x6376x4xf32, #tpu.memory_space<hbm>> -> memref<1x6376x4xf32, #tpu.memory_space<hbm>>
      %dma_start3A_13 = tpu.memref_squeeze %dma_start3A_12 : memref<1x6376x4xf32, #tpu.memory_space<hbm>> -> memref<6376x4xf32, #tpu.memory_space<hbm>>
      %dma_start3A_14 = arith.constant 0 : i32
      %dma_start3A_15 = arith.constant 0 : i32
      %dma_start3A_16 = tpu.memref_slice %arg2[%arg1, %dma_start3A_14, %dma_start3A_15] : memref<16x6376x4xf32, #tpu.memory_space<hbm>> -> memref<1x6376x4xf32, #tpu.memory_space<hbm>>
      %dma_start3A_17 = tpu.memref_squeeze %dma_start3A_16 : memref<1x6376x4xf32, #tpu.memory_space<hbm>> -> memref<6376x4xf32, #tpu.memory_space<hbm>>
      tpu.enqueue_dma source(%dma_start3A_17 : memref<6376x4xf32, #tpu.memory_space<hbm>>) target(%arg10 : memref<6376x4xf32, #tpu.memory_space<vmem>>) target_semaphore(%run_scoped3A : memref<!tpu.dma_semaphore, #tpu.memory_space<semaphore_mem>>)
      %dma_wait3A = arith.constant 0 : i32
      %dma_wait3A_18 = arith.constant 0 : i32
      %dma_wait3A_19 = tpu.memref_slice %arg2[%arg1, %dma_wait3A, %dma_wait3A_18] : memref<16x6376x4xf32, #tpu.memory_space<hbm>> -> memref<1x6376x4xf32, #tpu.memory_space<hbm>>
      %dma_wait3A_20 = tpu.memref_squeeze %dma_wait3A_19 : memref<1x6376x4xf32, #tpu.memory_space<hbm>> -> memref<6376x4xf32, #tpu.memory_space<hbm>>
      %dma_wait3A_21 = arith.constant 0 : i32
      %dma_wait3A_22 = arith.constant 0 : i32
      %dma_wait3A_23 = tpu.memref_slice %arg2[%arg1, %dma_wait3A_21, %dma_wait3A_22] : memref<16x6376x4xf32, #tpu.memory_space<hbm>> -> memref<1x6376x4xf32, #tpu.memory_space<hbm>>
      %dma_wait3A_24 = tpu.memref_squeeze %dma_wait3A_23 : memref<1x6376x4xf32, #tpu.memory_space<hbm>> -> memref<6376x4xf32, #tpu.memory_space<hbm>>
      tpu.wait_dma2 semaphore(%run_scoped3A : memref<!tpu.dma_semaphore, #tpu.memory_space<semaphore_mem>>) src(%dma_wait3A_24 : memref<6376x4xf32, #tpu.memory_space<hbm>>) dst(%arg10 : memref<6376x4xf32, #tpu.memory_space<vmem>>)
      tpu.yield
    }) : () -> ()
    "tpu.region"() ({
      %run_scoped3A = tpu.sem_alloc : memref<!tpu.dma_semaphore, #tpu.memory_space<semaphore_mem>>
      %dma_start3A = arith.constant 0 : i32
      %dma_start3A_11 = tpu.memref_slice %arg11[%mul3A_2, %dma_start3A] : memref<102016x4xf32, #tpu.memory_space<vmem_shared>> -> memref<6376x4xf32, #tpu.memory_space<vmem_shared>>
      %dma_start3A_12 = arith.constant 0 : i32
      %dma_start3A_13 = tpu.memref_slice %arg11[%mul3A_2, %dma_start3A_12] : memref<102016x4xf32, #tpu.memory_space<vmem_shared>> -> memref<6376x4xf32, #tpu.memory_space<vmem_shared>>
      tpu.enqueue_dma source(%arg10 : memref<6376x4xf32, #tpu.memory_space<vmem>>) target(%dma_start3A_13 : memref<6376x4xf32, #tpu.memory_space<vmem_shared>>) target_semaphore(%run_scoped3A : memref<!tpu.dma_semaphore, #tpu.memory_space<semaphore_mem>>)
      %dma_wait3A = arith.constant 0 : i32
      %dma_wait3A_14 = tpu.memref_slice %arg11[%mul3A_2, %dma_wait3A] : memref<102016x4xf32, #tpu.memory_space<vmem_shared>> -> memref<6376x4xf32, #tpu.memory_space<vmem_shared>>
      %dma_wait3A_15 = arith.constant 0 : i32
      %dma_wait3A_16 = tpu.memref_slice %arg11[%mul3A_2, %dma_wait3A_15] : memref<102016x4xf32, #tpu.memory_space<vmem_shared>> -> memref<6376x4xf32, #tpu.memory_space<vmem_shared>>
      tpu.wait_dma2 semaphore(%run_scoped3A : memref<!tpu.dma_semaphore, #tpu.memory_space<semaphore_mem>>) src(%arg10 : memref<6376x4xf32, #tpu.memory_space<vmem>>) dst(%dma_wait3A_16 : memref<6376x4xf32, #tpu.memory_space<vmem_shared>>)
      tpu.yield
    }) : () -> ()
    "tpu.region"() ({
      %run_scoped3A = tpu.sem_alloc : memref<!tpu.dma_semaphore, #tpu.memory_space<semaphore_mem>>
      %dma_start3A = arith.constant 0 : i32
      %dma_start3A_11 = arith.constant 0 : i32
      %dma_start3A_12 = tpu.memref_slice %arg5[%arg1, %dma_start3A, %dma_start3A_11] : memref<16x6376x4xf32, #tpu.memory_space<hbm>> -> memref<1x6376x4xf32, #tpu.memory_space<hbm>>
      %dma_start3A_13 = tpu.memref_squeeze %dma_start3A_12 : memref<1x6376x4xf32, #tpu.memory_space<hbm>> -> memref<6376x4xf32, #tpu.memory_space<hbm>>
      %dma_start3A_14 = arith.constant 0 : i32
      %dma_start3A_15 = arith.constant 0 : i32
      %dma_start3A_16 = tpu.memref_slice %arg5[%arg1, %dma_start3A_14, %dma_start3A_15] : memref<16x6376x4xf32, #tpu.memory_space<hbm>> -> memref<1x6376x4xf32, #tpu.memory_space<hbm>>
      %dma_start3A_17 = tpu.memref_squeeze %dma_start3A_16 : memref<1x6376x4xf32, #tpu.memory_space<hbm>> -> memref<6376x4xf32, #tpu.memory_space<hbm>>
      tpu.enqueue_dma source(%dma_start3A_17 : memref<6376x4xf32, #tpu.memory_space<hbm>>) target(%arg10 : memref<6376x4xf32, #tpu.memory_space<vmem>>) target_semaphore(%run_scoped3A : memref<!tpu.dma_semaphore, #tpu.memory_space<semaphore_mem>>)
      %dma_wait3A = arith.constant 0 : i32
      %dma_wait3A_18 = arith.constant 0 : i32
      %dma_wait3A_19 = tpu.memref_slice %arg5[%arg1, %dma_wait3A, %dma_wait3A_18] : memref<16x6376x4xf32, #tpu.memory_space<hbm>> -> memref<1x6376x4xf32, #tpu.memory_space<hbm>>
      %dma_wait3A_20 = tpu.memref_squeeze %dma_wait3A_19 : memref<1x6376x4xf32, #tpu.memory_space<hbm>> -> memref<6376x4xf32, #tpu.memory_space<hbm>>
      %dma_wait3A_21 = arith.constant 0 : i32
      %dma_wait3A_22 = arith.constant 0 : i32
      %dma_wait3A_23 = tpu.memref_slice %arg5[%arg1, %dma_wait3A_21, %dma_wait3A_22] : memref<16x6376x4xf32, #tpu.memory_space<hbm>> -> memref<1x6376x4xf32, #tpu.memory_space<hbm>>
      %dma_wait3A_24 = tpu.memref_squeeze %dma_wait3A_23 : memref<1x6376x4xf32, #tpu.memory_space<hbm>> -> memref<6376x4xf32, #tpu.memory_space<hbm>>
      tpu.wait_dma2 semaphore(%run_scoped3A : memref<!tpu.dma_semaphore, #tpu.memory_space<semaphore_mem>>) src(%dma_wait3A_24 : memref<6376x4xf32, #tpu.memory_space<hbm>>) dst(%arg10 : memref<6376x4xf32, #tpu.memory_space<vmem>>)
      tpu.yield
    }) : () -> ()
    "tpu.region"() ({
      %run_scoped3A = tpu.sem_alloc : memref<!tpu.dma_semaphore, #tpu.memory_space<semaphore_mem>>
      %dma_start3A = arith.constant 0 : i32
      %dma_start3A_11 = tpu.memref_slice %arg12[%mul3A_2, %dma_start3A] : memref<102016x4xf32, #tpu.memory_space<vmem_shared>> -> memref<6376x4xf32, #tpu.memory_space<vmem_shared>>
      %dma_start3A_12 = arith.constant 0 : i32
      %dma_start3A_13 = tpu.memref_slice %arg12[%mul3A_2, %dma_start3A_12] : memref<102016x4xf32, #tpu.memory_space<vmem_shared>> -> memref<6376x4xf32, #tpu.memory_space<vmem_shared>>
      tpu.enqueue_dma source(%arg10 : memref<6376x4xf32, #tpu.memory_space<vmem>>) target(%dma_start3A_13 : memref<6376x4xf32, #tpu.memory_space<vmem_shared>>) target_semaphore(%run_scoped3A : memref<!tpu.dma_semaphore, #tpu.memory_space<semaphore_mem>>)
      %dma_wait3A = arith.constant 0 : i32
      %dma_wait3A_14 = tpu.memref_slice %arg12[%mul3A_2, %dma_wait3A] : memref<102016x4xf32, #tpu.memory_space<vmem_shared>> -> memref<6376x4xf32, #tpu.memory_space<vmem_shared>>
      %dma_wait3A_15 = arith.constant 0 : i32
      %dma_wait3A_16 = tpu.memref_slice %arg12[%mul3A_2, %dma_wait3A_15] : memref<102016x4xf32, #tpu.memory_space<vmem_shared>> -> memref<6376x4xf32, #tpu.memory_space<vmem_shared>>
      tpu.wait_dma2 semaphore(%run_scoped3A : memref<!tpu.dma_semaphore, #tpu.memory_space<semaphore_mem>>) src(%arg10 : memref<6376x4xf32, #tpu.memory_space<vmem>>) dst(%dma_wait3A_16 : memref<6376x4xf32, #tpu.memory_space<vmem_shared>>)
      tpu.yield
    }) : () -> ()
    %barrier3A = arith.constant 0 : index
    tpu.barrier barrier_id(%barrier3A)
    %mul3A_3 = arith.constant 51200 : i32
    %mul3A_4 = arith.muli %add3A, %mul3A_3 : i32
    %scan3A = arith.constant 0 : i32
    %scan3A_5 = arith.constant 0 : i32
    %scan3A_6 = arith.constant 400 : i32
    %scan3A_7 = arith.addi %scan3A_5, %scan3A_6 : i32
    %scan3A_8 = arith.constant 1 : i32
    scf.for %scan3A_11 = %scan3A_5 to %scan3A_7 step %scan3A_8  : i32 {
      %mul3A_12 = arith.constant 128 : i32
      %mul3A_13 = arith.muli %scan3A_11, %mul3A_12 : i32
      %add3A_14 = arith.addi %mul3A_4, %mul3A_13 : i32
      "tpu.region"() ({
        %run_scoped3A = tpu.sem_alloc : memref<!tpu.dma_semaphore, #tpu.memory_space<semaphore_mem>>
        %dma_start3A = tpu.memref_slice %arg3[%add3A_14] : memref<1638400xi32, #tpu.memory_space<hbm>> -> memref<128xi32, #tpu.memory_space<hbm>>
        %dma_start3A_15 = tpu.memref_slice %arg3[%add3A_14] : memref<1638400xi32, #tpu.memory_space<hbm>> -> memref<128xi32, #tpu.memory_space<hbm>>
        tpu.enqueue_dma source(%dma_start3A_15 : memref<128xi32, #tpu.memory_space<hbm>>) target(%arg7 : memref<128xi32, #tpu.memory_space<vmem>>) target_semaphore(%run_scoped3A : memref<!tpu.dma_semaphore, #tpu.memory_space<semaphore_mem>>)
        %dma_wait3A = tpu.memref_slice %arg3[%add3A_14] : memref<1638400xi32, #tpu.memory_space<hbm>> -> memref<128xi32, #tpu.memory_space<hbm>>
        %dma_wait3A_16 = tpu.memref_slice %arg3[%add3A_14] : memref<1638400xi32, #tpu.memory_space<hbm>> -> memref<128xi32, #tpu.memory_space<hbm>>
        tpu.wait_dma2 semaphore(%run_scoped3A : memref<!tpu.dma_semaphore, #tpu.memory_space<semaphore_mem>>) src(%dma_wait3A_16 : memref<128xi32, #tpu.memory_space<hbm>>) dst(%arg7 : memref<128xi32, #tpu.memory_space<vmem>>)
        tpu.yield
      }) : () -> ()
      "tpu.region"() ({
        %run_scoped3A = tpu.sem_alloc : memref<!tpu.dma_semaphore, #tpu.memory_space<semaphore_mem>>
        %dma_start3A = tpu.memref_slice %arg4[%add3A_14] : memref<1638400xi32, #tpu.memory_space<hbm>> -> memref<128xi32, #tpu.memory_space<hbm>>
        %dma_start3A_15 = tpu.memref_slice %arg4[%add3A_14] : memref<1638400xi32, #tpu.memory_space<hbm>> -> memref<128xi32, #tpu.memory_space<hbm>>
        tpu.enqueue_dma source(%dma_start3A_15 : memref<128xi32, #tpu.memory_space<hbm>>) target(%arg8 : memref<128xi32, #tpu.memory_space<vmem>>) target_semaphore(%run_scoped3A : memref<!tpu.dma_semaphore, #tpu.memory_space<semaphore_mem>>)
        %dma_wait3A = tpu.memref_slice %arg4[%add3A_14] : memref<1638400xi32, #tpu.memory_space<hbm>> -> memref<128xi32, #tpu.memory_space<hbm>>
        %dma_wait3A_16 = tpu.memref_slice %arg4[%add3A_14] : memref<1638400xi32, #tpu.memory_space<hbm>> -> memref<128xi32, #tpu.memory_space<hbm>>
        tpu.wait_dma2 semaphore(%run_scoped3A : memref<!tpu.dma_semaphore, #tpu.memory_space<semaphore_mem>>) src(%dma_wait3A_16 : memref<128xi32, #tpu.memory_space<hbm>>) dst(%arg8 : memref<128xi32, #tpu.memory_space<vmem>>)
        tpu.yield
      }) : () -> ()
      "tpu.region"() ({
        %run_scoped3A = tpu.sem_alloc : memref<!tpu.dma_semaphore, #tpu.memory_space<semaphore_mem>>
        %dma_start3A = arith.constant 0 : i32
        %dma_start3A_15 = arith.constant 0 : i32
        %dma_start3A_16 = tpu.memref_slice %arg11[%dma_start3A, %dma_start3A_15] : memref<102016x4xf32, #tpu.memory_space<vmem_shared>> -> memref<102016x4xf32, #tpu.memory_space<vmem_shared>>
        tpu.enqueue_indirect_dma source(%dma_start3A_16 : memref<102016x4xf32, #tpu.memory_space<vmem_shared>>) target(%arg9 : memref<128x4xf32, #tpu.memory_space<vmem>>) offsets(%arg7 : memref<128xi32, #tpu.memory_space<vmem>>) semaphore(%run_scoped3A : memref<!tpu.dma_semaphore, #tpu.memory_space<semaphore_mem>>)
        %dma_wait3A = arith.constant 0 : i32
        %dma_wait3A_17 = arith.constant 0 : i32
        %dma_wait3A_18 = tpu.memref_slice %arg11[%dma_wait3A, %dma_wait3A_17] : memref<102016x4xf32, #tpu.memory_space<vmem_shared>> -> memref<102016x4xf32, #tpu.memory_space<vmem_shared>>
        tpu.wait_indirect_dma semaphore(%run_scoped3A : memref<!tpu.dma_semaphore, #tpu.memory_space<semaphore_mem>>) src(%dma_wait3A_18 : memref<102016x4xf32, #tpu.memory_space<vmem_shared>>) dst(%arg9 : memref<128x4xf32, #tpu.memory_space<vmem>>)
        tpu.yield
      }) : () -> ()
      "tpu.region"() ({
        %run_scoped3A = tpu.sem_alloc : memref<!tpu.dma_semaphore, #tpu.memory_space<semaphore_mem>>
        %dma_start3A = arith.constant 0 : i32
        %dma_start3A_15 = arith.constant 0 : i32
        %dma_start3A_16 = tpu.memref_slice %arg12[%dma_start3A, %dma_start3A_15] : memref<102016x4xf32, #tpu.memory_space<vmem_shared>> -> memref<102016x4xf32, #tpu.memory_space<vmem_shared>>
        tpu.enqueue_indirect_dma source(%arg9 : memref<128x4xf32, #tpu.memory_space<vmem>>) target(%dma_start3A_16 : memref<102016x4xf32, #tpu.memory_space<vmem_shared>>) offsets(%arg8 : memref<128xi32, #tpu.memory_space<vmem>>) semaphore(%run_scoped3A : memref<!tpu.dma_semaphore, #tpu.memory_space<semaphore_mem>>) {add = true}
        %dma_wait3A = arith.constant 0 : i32
        %dma_wait3A_17 = arith.constant 0 : i32
        %dma_wait3A_18 = tpu.memref_slice %arg12[%dma_wait3A, %dma_wait3A_17] : memref<102016x4xf32, #tpu.memory_space<vmem_shared>> -> memref<102016x4xf32, #tpu.memory_space<vmem_shared>>
        tpu.wait_indirect_dma semaphore(%run_scoped3A : memref<!tpu.dma_semaphore, #tpu.memory_space<semaphore_mem>>) src(%arg9 : memref<128x4xf32, #tpu.memory_space<vmem>>) dst(%dma_wait3A_18 : memref<102016x4xf32, #tpu.memory_space<vmem_shared>>)
        tpu.yield
      }) : () -> ()
    }
    %scan3A_9 = arith.constant 400 : i32
    %barrier3A_10 = arith.constant 0 : index
    tpu.barrier barrier_id(%barrier3A_10)
    "tpu.region"() ({
      %run_scoped3A = tpu.sem_alloc : memref<!tpu.dma_semaphore, #tpu.memory_space<semaphore_mem>>
      %dma_start3A = arith.constant 0 : i32
      %dma_start3A_11 = tpu.memref_slice %arg12[%mul3A_2, %dma_start3A] : memref<102016x4xf32, #tpu.memory_space<vmem_shared>> -> memref<6376x4xf32, #tpu.memory_space<vmem_shared>>
      %dma_start3A_12 = arith.constant 0 : i32
      %dma_start3A_13 = tpu.memref_slice %arg12[%mul3A_2, %dma_start3A_12] : memref<102016x4xf32, #tpu.memory_space<vmem_shared>> -> memref<6376x4xf32, #tpu.memory_space<vmem_shared>>
      tpu.enqueue_dma source(%dma_start3A_13 : memref<6376x4xf32, #tpu.memory_space<vmem_shared>>) target(%arg10 : memref<6376x4xf32, #tpu.memory_space<vmem>>) target_semaphore(%run_scoped3A : memref<!tpu.dma_semaphore, #tpu.memory_space<semaphore_mem>>)
      %dma_wait3A = arith.constant 0 : i32
      %dma_wait3A_14 = tpu.memref_slice %arg12[%mul3A_2, %dma_wait3A] : memref<102016x4xf32, #tpu.memory_space<vmem_shared>> -> memref<6376x4xf32, #tpu.memory_space<vmem_shared>>
      %dma_wait3A_15 = arith.constant 0 : i32
      %dma_wait3A_16 = tpu.memref_slice %arg12[%mul3A_2, %dma_wait3A_15] : memref<102016x4xf32, #tpu.memory_space<vmem_shared>> -> memref<6376x4xf32, #tpu.memory_space<vmem_shared>>
      tpu.wait_dma2 semaphore(%run_scoped3A : memref<!tpu.dma_semaphore, #tpu.memory_space<semaphore_mem>>) src(%dma_wait3A_16 : memref<6376x4xf32, #tpu.memory_space<vmem_shared>>) dst(%arg10 : memref<6376x4xf32, #tpu.memory_space<vmem>>)
      tpu.yield
    }) : () -> ()
    "tpu.region"() ({
      %run_scoped3A = tpu.sem_alloc : memref<!tpu.dma_semaphore, #tpu.memory_space<semaphore_mem>>
      %dma_start3A = arith.constant 0 : i32
      %dma_start3A_11 = arith.constant 0 : i32
      %dma_start3A_12 = tpu.memref_slice %arg6[%arg0, %arg1, %dma_start3A, %dma_start3A_11] : memref<2x16x6376x4xf32, #tpu.memory_space<hbm>> -> memref<1x1x6376x4xf32, #tpu.memory_space<hbm>>
      %dma_start3A_13 = tpu.memref_squeeze %dma_start3A_12 : memref<1x1x6376x4xf32, #tpu.memory_space<hbm>> -> memref<6376x4xf32, #tpu.memory_space<hbm>>
      %dma_start3A_14 = arith.constant 0 : i32
      %dma_start3A_15 = arith.constant 0 : i32
      %dma_start3A_16 = tpu.memref_slice %arg6[%arg0, %arg1, %dma_start3A_14, %dma_start3A_15] : memref<2x16x6376x4xf32, #tpu.memory_space<hbm>> -> memref<1x1x6376x4xf32, #tpu.memory_space<hbm>>
      %dma_start3A_17 = tpu.memref_squeeze %dma_start3A_16 : memref<1x1x6376x4xf32, #tpu.memory_space<hbm>> -> memref<6376x4xf32, #tpu.memory_space<hbm>>
      tpu.enqueue_dma source(%arg10 : memref<6376x4xf32, #tpu.memory_space<vmem>>) target(%dma_start3A_17 : memref<6376x4xf32, #tpu.memory_space<hbm>>) target_semaphore(%run_scoped3A : memref<!tpu.dma_semaphore, #tpu.memory_space<semaphore_mem>>)
      %dma_wait3A = arith.constant 0 : i32
      %dma_wait3A_18 = arith.constant 0 : i32
      %dma_wait3A_19 = tpu.memref_slice %arg6[%arg0, %arg1, %dma_wait3A, %dma_wait3A_18] : memref<2x16x6376x4xf32, #tpu.memory_space<hbm>> -> memref<1x1x6376x4xf32, #tpu.memory_space<hbm>>
      %dma_wait3A_20 = tpu.memref_squeeze %dma_wait3A_19 : memref<1x1x6376x4xf32, #tpu.memory_space<hbm>> -> memref<6376x4xf32, #tpu.memory_space<hbm>>
      %dma_wait3A_21 = arith.constant 0 : i32
      %dma_wait3A_22 = arith.constant 0 : i32
      %dma_wait3A_23 = tpu.memref_slice %arg6[%arg0, %arg1, %dma_wait3A_21, %dma_wait3A_22] : memref<2x16x6376x4xf32, #tpu.memory_space<hbm>> -> memref<1x1x6376x4xf32, #tpu.memory_space<hbm>>
      %dma_wait3A_24 = tpu.memref_squeeze %dma_wait3A_23 : memref<1x1x6376x4xf32, #tpu.memory_space<hbm>> -> memref<6376x4xf32, #tpu.memory_space<hbm>>
      tpu.wait_dma2 semaphore(%run_scoped3A : memref<!tpu.dma_semaphore, #tpu.memory_space<semaphore_mem>>) src(%arg10 : memref<6376x4xf32, #tpu.memory_space<vmem>>) dst(%dma_wait3A_24 : memref<6376x4xf32, #tpu.memory_space<hbm>>)
      tpu.yield
    }) : () -> ()
    return
  }
}

module attributes {stable_mosaic.version = 14 : i64} {
  func.func @_combine_scale_body(%arg0: memref<2x3188x128xf32, #tpu.memory_space<vmem>>, %arg1: memref<128x128xf32, #tpu.memory_space<vmem>>, %arg2: memref<3188x128xf32, #tpu.memory_space<vmem>>) attributes {dimension_semantics = [], scalar_prefetch = 0 : i64, scratch_operands = 0 : i64, tpu.core_type = #tpu.core_type<tc>} {
    %iota3A = tpu.iota {dimensions = array<i32: 1>} : vector<1x128xi32>
    %jit3A = arith.constant 4 : i32
    %eq3A = arith.constant 0 : i32
    %eq3A_0 = arith.cmpi eq, %jit3A, %eq3A : i32
    %jit3A_1 = arith.constant 1 : i32
    %select_n3A = arith.select %eq3A_0, %jit3A_1, %jit3A : i32
    %rem3A = vector.broadcast %select_n3A : i32 to vector<1x128xi32>
    %rem3A_2 = arith.remsi %iota3A, %rem3A : vector<1x128xi32>
    %ne3A = arith.constant 0 : i32
    %ne3A_3 = vector.broadcast %ne3A : i32 to vector<1x128xi32>
    %ne3A_4 = arith.cmpi ne, %rem3A_2, %ne3A_3 : vector<1x128xi32>
    %lt3A = arith.constant 0 : i32
    %lt3A_5 = vector.broadcast %lt3A : i32 to vector<1x128xi32>
    %lt3A_6 = arith.cmpi slt, %rem3A_2, %lt3A_5 : vector<1x128xi32>
    %lt3A_7 = arith.constant 0 : i32
    %lt3A_8 = arith.cmpi slt, %select_n3A, %lt3A_7 : i32
    %ne3A_9 = vector.broadcast %lt3A_8 : i1 to vector<1x128xi1>
    %ne3A_10 = vector.broadcast %ne3A_9 : vector<1x128xi1> to vector<1x128xi1>
    %ne3A_11 = arith.xori %lt3A_6, %ne3A_10 : vector<1x128xi1>
    %and3A = arith.andi %ne3A_11, %ne3A_4 : vector<1x128xi1>
    %add3A = vector.broadcast %select_n3A : i32 to vector<1x128xi32>
    %add3A_12 = arith.addi %rem3A_2, %add3A : vector<1x128xi32>
    %select_n3A_13 = arith.select %and3A, %add3A_12, %rem3A_2 : vector<1x128xi1>, vector<1x128xi32>
    %eq3A_14 = arith.constant 3 : i32
    %eq3A_15 = vector.broadcast %eq3A_14 : i32 to vector<1x128xi32>
    %eq3A_16 = arith.cmpi eq, %select_n3A_13, %eq3A_15 : vector<1x128xi32>
    %jit3A_17 = arith.constant 0.000000e+00 : f32
    %jit3A_18 = arith.constant 1.000000e+00 : f32
    %broadcast_in_dim3A = vector.broadcast %jit3A_17 : f32 to vector<1x128xf32>
    %broadcast_in_dim3A_19 = vector.broadcast %jit3A_18 : f32 to vector<1x128xf32>
    %select_n3A_20 = arith.select %eq3A_16, %broadcast_in_dim3A, %broadcast_in_dim3A_19 : vector<1x128xi1>, vector<1x128xf32>
    %jit3A_21 = arith.constant 1.000000e+00 : f32
    %jit3A_22 = arith.constant 0.000000e+00 : f32
    %broadcast_in_dim3A_23 = vector.broadcast %jit3A_21 : f32 to vector<1x128xf32>
    %broadcast_in_dim3A_24 = vector.broadcast %jit3A_22 : f32 to vector<1x128xf32>
    %select_n3A_25 = arith.select %eq3A_16, %broadcast_in_dim3A_23, %broadcast_in_dim3A_24 : vector<1x128xi1>, vector<1x128xf32>
    %get3A = arith.constant 0 : index
    %get3A_26 = arith.constant 0 : index
    %get3A_27 = arith.constant 0 : index
    %get3A_28 = vector.load %arg0[%get3A, %get3A_26, %get3A_27] : memref<2x3188x128xf32, #tpu.memory_space<vmem>>, vector<1x3188x128xf32>
    %get3A_29 = vector.shape_cast %get3A_28 : vector<1x3188x128xf32> to vector<3188x128xf32>
    %get3A_30 = arith.constant 1 : index
    %get3A_31 = arith.constant 0 : index
    %get3A_32 = arith.constant 0 : index
    %get3A_33 = vector.load %arg0[%get3A_30, %get3A_31, %get3A_32] : memref<2x3188x128xf32, #tpu.memory_space<vmem>>, vector<1x3188x128xf32>
    %get3A_34 = vector.shape_cast %get3A_33 : vector<1x3188x128xf32> to vector<3188x128xf32>
    %add3A_35 = arith.addf %get3A_29, %get3A_34 : vector<3188x128xf32>
    %get3A_36 = arith.constant 0 : index
    %get3A_37 = arith.constant 0 : index
    %get3A_38 = vector.load %arg1[%get3A_36, %get3A_37] : memref<128x128xf32, #tpu.memory_space<vmem>>, vector<128x128xf32>
    %dot_general3A = arith.constant dense<0.000000e+00> : vector<3188x128xf32>
    %dot_general3A_39 = tpu.matmul %add3A_35, %get3A_38, %dot_general3A {dimension_numbers = #tpu.dot_dimension_numbers<[1], [0], [0], [1], [0, 0, 1, 1], [], []>, transpose_lhs_hint = false} : vector<3188x128xf32>, vector<128x128xf32>, vector<3188x128xf32> -> vector<3188x128xf32>
    %gt3A = arith.constant 0.000000e+00 : f32
    %gt3A_40 = vector.broadcast %gt3A : f32 to vector<3188x128xf32>
    %gt3A_41 = arith.cmpf ogt, %dot_general3A_39, %gt3A_40 : vector<3188x128xf32>
    %gt3A_42 = arith.constant 0.000000e+00 : f32
    %gt3A_43 = vector.broadcast %gt3A_42 : f32 to vector<3188x128xf32>
    %gt3A_44 = arith.cmpf ogt, %dot_general3A_39, %gt3A_43 : vector<3188x128xf32>
    %jit3A_45 = arith.constant 1.000000e+00 : f32
    %broadcast_in_dim3A_46 = vector.broadcast %jit3A_45 : f32 to vector<3188x128xf32>
    %select_n3A_47 = arith.select %gt3A_44, %dot_general3A_39, %broadcast_in_dim3A_46 : vector<3188x128xi1>, vector<3188x128xf32>
    %div3A = arith.constant 1.000000e+00 : f32
    %div3A_48 = vector.broadcast %div3A : f32 to vector<3188x128xf32>
    %div3A_49 = arith.divf %div3A_48, %select_n3A_47 : vector<3188x128xf32>
    %jit3A_50 = arith.constant 0.000000e+00 : f32
    %broadcast_in_dim3A_51 = vector.broadcast %jit3A_50 : f32 to vector<3188x128xf32>
    %select_n3A_52 = arith.select %gt3A_41, %div3A_49, %broadcast_in_dim3A_51 : vector<3188x128xi1>, vector<3188x128xf32>
    %mul3A = arith.mulf %add3A_35, %select_n3A_52 : vector<3188x128xf32>
    %mul3A_53 = vector.broadcast %select_n3A_20 : vector<1x128xf32> to vector<3188x128xf32>
    %mul3A_54 = arith.mulf %mul3A, %mul3A_53 : vector<3188x128xf32>
    %add3A_55 = vector.broadcast %select_n3A_25 : vector<1x128xf32> to vector<3188x128xf32>
    %add3A_56 = arith.addf %mul3A_54, %add3A_55 : vector<3188x128xf32>
    %swap3A = arith.constant 0 : index
    %swap3A_57 = arith.constant 0 : index
    %swap3A_58 = vector.load %arg2[%swap3A, %swap3A_57] : memref<3188x128xf32, #tpu.memory_space<vmem>>, vector<3188x128xf32>
    tpu.vector_store %arg2[%swap3A, %swap3A_57], %add3A_56 {strides = array<i32>} : memref<3188x128xf32, #tpu.memory_space<vmem>>, vector<3188x128xf32>,
    return
  }
}

module attributes {stable_mosaic.version = 14 : i64} {
  func.func @_temb_body(%arg0: memref<1xi32, #tpu.memory_space<smem>>, %arg1: memref<16x64xf32, #tpu.memory_space<vmem>>, %arg2: memref<1x64xf32, #tpu.memory_space<vmem>>, %arg3: memref<64x64xf32, #tpu.memory_space<vmem>>, %arg4: memref<1x64xf32, #tpu.memory_space<vmem>>, %arg5: memref<64x16xf32, #tpu.memory_space<vmem>>, %arg6: memref<1x16xf32, #tpu.memory_space<vmem>>, %arg7: memref<64x3xf32, #tpu.memory_space<vmem>>, %arg8: memref<1x3xf32, #tpu.memory_space<vmem>>, %arg9: memref<1x512xf32, #tpu.memory_space<vmem>>, %arg10: memref<1x128xf32, #tpu.memory_space<vmem>>) attributes {dimension_semantics = [], scalar_prefetch = 0 : i64, scratch_operands = 0 : i64, tpu.core_type = #tpu.core_type<tc>} {
    %get3A = arith.constant 0 : index
    %get3A_0 = memref.load %arg0[%get3A] : memref<1xi32, #tpu.memory_space<smem>>
    %convert_element_type3A = arith.sitofp %get3A_0 : i32 to f32
    %iota3A = tpu.iota {dimensions = array<i32: 1>} : vector<1x8xi32>
    %convert_element_type3A_1 = arith.sitofp %iota3A : vector<1x8xi32> to vector<1x8xf32>
    %mul3A = arith.constant -1.15129256 : f32
    %mul3A_2 = vector.broadcast %mul3A : f32 to vector<1x8xf32>
    %mul3A_3 = arith.mulf %mul3A_2, %convert_element_type3A_1 : vector<1x8xf32>
    %exp3A = math.exp %mul3A_3 : vector<1x8xf32>
    %mul3A_4 = vector.broadcast %convert_element_type3A : f32 to vector<1x8xf32>
    %mul3A_5 = arith.mulf %mul3A_4, %exp3A : vector<1x8xf32>
    %cos3A = math.cos %mul3A_5 : vector<1x8xf32>
    %sin3A = math.sin %mul3A_5 : vector<1x8xf32>
    %concatenate3A = tpu.concatenate %cos3A, %sin3A in 1 : vector<1x8xf32>, vector<1x8xf32> -> vector<1x16xf32>
    %get3A_6 = arith.constant 0 : index
    %get3A_7 = arith.constant 0 : index
    %get3A_8 = vector.load %arg1[%get3A_6, %get3A_7] : memref<16x64xf32, #tpu.memory_space<vmem>>, vector<16x64xf32>
    %dot_general3A = arith.constant dense<0.000000e+00> : vector<1x64xf32>
    %dot_general3A_9 = tpu.matmul %concatenate3A, %get3A_8, %dot_general3A {dimension_numbers = #tpu.dot_dimension_numbers<[1], [0], [0], [1], [0, 0, 1, 1], [], []>, transpose_lhs_hint = false} : vector<1x16xf32>, vector<16x64xf32>, vector<1x64xf32> -> vector<1x64xf32>
    %get3A_10 = arith.constant 0 : index
    %get3A_11 = arith.constant 0 : index
    %get3A_12 = vector.load %arg2[%get3A_10, %get3A_11] : memref<1x64xf32, #tpu.memory_space<vmem>>, vector<1x64xf32>
    %add3A = arith.addf %dot_general3A_9, %get3A_12 : vector<1x64xf32>
    %logistic3A = arith.negf %add3A : vector<1x64xf32>
    %logistic3A_13 = math.exp %logistic3A : vector<1x64xf32>
    %logistic3A_14 = arith.constant 1.000000e+00 : f32
    %logistic3A_15 = vector.broadcast %logistic3A_14 : f32 to vector<1x64xf32>
    %logistic3A_16 = arith.addf %logistic3A_15, %logistic3A_13 : vector<1x64xf32>
    %logistic3A_17 = arith.divf %logistic3A_15, %logistic3A_16 : vector<1x64xf32>
    %mul3A_18 = arith.mulf %add3A, %logistic3A_17 : vector<1x64xf32>
    %get3A_19 = arith.constant 0 : index
    %get3A_20 = arith.constant 0 : index
    %get3A_21 = vector.load %arg3[%get3A_19, %get3A_20] : memref<64x64xf32, #tpu.memory_space<vmem>>, vector<64x64xf32>
    %dot_general3A_22 = arith.constant dense<0.000000e+00> : vector<1x64xf32>
    %dot_general3A_23 = tpu.matmul %mul3A_18, %get3A_21, %dot_general3A_22 {dimension_numbers = #tpu.dot_dimension_numbers<[1], [0], [0], [1], [0, 0, 1, 1], [], []>, transpose_lhs_hint = false} : vector<1x64xf32>, vector<64x64xf32>, vector<1x64xf32> -> vector<1x64xf32>
    %get3A_24 = arith.constant 0 : index
    %get3A_25 = arith.constant 0 : index
    %get3A_26 = vector.load %arg4[%get3A_24, %get3A_25] : memref<1x64xf32, #tpu.memory_space<vmem>>, vector<1x64xf32>
    %add3A_27 = arith.addf %dot_general3A_23, %get3A_26 : vector<1x64xf32>
    %logistic3A_28 = arith.negf %add3A_27 : vector<1x64xf32>
    %logistic3A_29 = math.exp %logistic3A_28 : vector<1x64xf32>
    %logistic3A_30 = arith.constant 1.000000e+00 : f32
    %logistic3A_31 = vector.broadcast %logistic3A_30 : f32 to vector<1x64xf32>
    %logistic3A_32 = arith.addf %logistic3A_31, %logistic3A_29 : vector<1x64xf32>
    %logistic3A_33 = arith.divf %logistic3A_31, %logistic3A_32 : vector<1x64xf32>
    %mul3A_34 = arith.mulf %add3A_27, %logistic3A_33 : vector<1x64xf32>
    %get3A_35 = arith.constant 0 : index
    %get3A_36 = arith.constant 0 : index
    %get3A_37 = vector.load %arg5[%get3A_35, %get3A_36] : memref<64x16xf32, #tpu.memory_space<vmem>>, vector<64x16xf32>
    %dot_general3A_38 = arith.constant dense<0.000000e+00> : vector<1x16xf32>
    %dot_general3A_39 = tpu.matmul %mul3A_34, %get3A_37, %dot_general3A_38 {dimension_numbers = #tpu.dot_dimension_numbers<[1], [0], [0], [1], [0, 0, 1, 1], [], []>, transpose_lhs_hint = false} : vector<1x64xf32>, vector<64x16xf32>, vector<1x16xf32> -> vector<1x16xf32>
    %get3A_40 = arith.constant 0 : index
    %get3A_41 = arith.constant 0 : index
    %get3A_42 = vector.load %arg6[%get3A_40, %get3A_41] : memref<1x16xf32, #tpu.memory_space<vmem>>, vector<1x16xf32>
    %add3A_43 = arith.addf %dot_general3A_39, %get3A_42 : vector<1x16xf32>
    %get3A_44 = arith.constant 0 : index
    %get3A_45 = arith.constant 0 : index
    %get3A_46 = vector.load %arg7[%get3A_44, %get3A_45] : memref<64x3xf32, #tpu.memory_space<vmem>>, vector<64x3xf32>
    %dot_general3A_47 = arith.constant dense<0.000000e+00> : vector<1x3xf32>
    %dot_general3A_48 = tpu.matmul %mul3A_34, %get3A_46, %dot_general3A_47 {dimension_numbers = #tpu.dot_dimension_numbers<[1], [0], [0], [1], [0, 0, 1, 1], [], []>, transpose_lhs_hint = false} : vector<1x64xf32>, vector<64x3xf32>, vector<1x3xf32> -> vector<1x3xf32>
    %get3A_49 = arith.constant 0 : index
    %get3A_50 = arith.constant 0 : index
    %get3A_51 = vector.load %arg8[%get3A_49, %get3A_50] : memref<1x3xf32, #tpu.memory_space<vmem>>, vector<1x3xf32>
    %add3A_52 = arith.addf %dot_general3A_48, %get3A_51 : vector<1x3xf32>
    %tile3A = tpu.concatenate %add3A_43, %add3A_43, %add3A_43, %add3A_43, %add3A_43, %add3A_43, %add3A_43, %add3A_43, %add3A_43, %add3A_43, %add3A_43, %add3A_43, %add3A_43, %add3A_43, %add3A_43, %add3A_43, %add3A_43, %add3A_43, %add3A_43, %add3A_43, %add3A_43, %add3A_43, %add3A_43, %add3A_43, %add3A_43, %add3A_43, %add3A_43, %add3A_43, %add3A_43, %add3A_43, %add3A_43, %add3A_43 in 1 : vector<1x16xf32>, vector<1x16xf32>, vector<1x16xf32>, vector<1x16xf32>, vector<1x16xf32>, vector<1x16xf32>, vector<1x16xf32>, vector<1x16xf32>, vector<1x16xf32>, vector<1x16xf32>, vector<1x16xf32>, vector<1x16xf32>, vector<1x16xf32>, vector<1x16xf32>, vector<1x16xf32>, vector<1x16xf32>, vector<1x16xf32>, vector<1x16xf32>, vector<1x16xf32>, vector<1x16xf32>, vector<1x16xf32>, vector<1x16xf32>, vector<1x16xf32>, vector<1x16xf32>, vector<1x16xf32>, vector<1x16xf32>, vector<1x16xf32>, vector<1x16xf32>, vector<1x16xf32>, vector<1x16xf32>, vector<1x16xf32>, vector<1x16xf32> -> vector<1x512xf32>
    %swap3A = arith.constant 0 : index
    %swap3A_53 = arith.constant 0 : index
    %swap3A_54 = vector.load %arg9[%swap3A, %swap3A_53] : memref<1x512xf32, #tpu.memory_space<vmem>>, vector<1x512xf32>
    tpu.vector_store %arg9[%swap3A, %swap3A_53], %tile3A {strides = array<i32>} : memref<1x512xf32, #tpu.memory_space<vmem>>, vector<1x512xf32>,
    %broadcast_in_dim3A = arith.constant 0.000000e+00 : f32
    %broadcast_in_dim3A_55 = vector.broadcast %broadcast_in_dim3A : f32 to vector<1x1xf32>
    %concatenate3A_56 = tpu.concatenate %add3A_52, %broadcast_in_dim3A_55 in 1 : vector<1x3xf32>, vector<1x1xf32> -> vector<1x4xf32>
    %tile3A_57 = tpu.concatenate %concatenate3A_56, %concatenate3A_56, %concatenate3A_56, %concatenate3A_56, %concatenate3A_56, %concatenate3A_56, %concatenate3A_56, %concatenate3A_56, %concatenate3A_56, %concatenate3A_56, %concatenate3A_56, %concatenate3A_56, %concatenate3A_56, %concatenate3A_56, %concatenate3A_56, %concatenate3A_56, %concatenate3A_56, %concatenate3A_56, %concatenate3A_56, %concatenate3A_56, %concatenate3A_56, %concatenate3A_56, %concatenate3A_56, %concatenate3A_56, %concatenate3A_56, %concatenate3A_56, %concatenate3A_56, %concatenate3A_56, %concatenate3A_56, %concatenate3A_56, %concatenate3A_56, %concatenate3A_56 in 1 : vector<1x4xf32>, vector<1x4xf32>, vector<1x4xf32>, vector<1x4xf32>, vector<1x4xf32>, vector<1x4xf32>, vector<1x4xf32>, vector<1x4xf32>, vector<1x4xf32>, vector<1x4xf32>, vector<1x4xf32>, vector<1x4xf32>, vector<1x4xf32>, vector<1x4xf32>, vector<1x4xf32>, vector<1x4xf32>, vector<1x4xf32>, vector<1x4xf32>, vector<1x4xf32>, vector<1x4xf32>, vector<1x4xf32>, vector<1x4xf32>, vector<1x4xf32>, vector<1x4xf32>, vector<1x4xf32>, vector<1x4xf32>, vector<1x4xf32>, vector<1x4xf32>, vector<1x4xf32>, vector<1x4xf32>, vector<1x4xf32>, vector<1x4xf32> -> vector<1x128xf32>
    %swap3A_58 = arith.constant 0 : index
    %swap3A_59 = arith.constant 0 : index
    %swap3A_60 = vector.load %arg10[%swap3A_58, %swap3A_59] : memref<1x128xf32, #tpu.memory_space<vmem>>, vector<1x128xf32>
    tpu.vector_store %arg10[%swap3A_58, %swap3A_59], %tile3A_57 {strides = array<i32>} : memref<1x128xf32, #tpu.memory_space<vmem>>, vector<1x128xf32>,
    return
  }
}

module attributes {stable_mosaic.version = 14 : i64} {
  func.func @_dense_mid_body(%arg0: memref<2x3188x128xf32, #tpu.memory_space<vmem>>, %arg1: memref<128x128xf32, #tpu.memory_space<vmem>>, %arg2: memref<128x512xf32, #tpu.memory_space<vmem>>, %arg3: memref<512x128xf32, #tpu.memory_space<vmem>>, %arg4: memref<1x512xf32, #tpu.memory_space<vmem>>, %arg5: memref<3188x128xf32, #tpu.memory_space<vmem>>) attributes {dimension_semantics = [], scalar_prefetch = 0 : i64, scratch_operands = 0 : i64, tpu.core_type = #tpu.core_type<tc>} {
    %iota3A = tpu.iota {dimensions = array<i32: 1>} : vector<1x128xi32>
    %jit3A = arith.constant 4 : i32
    %eq3A = arith.constant 0 : i32
    %eq3A_0 = arith.cmpi eq, %jit3A, %eq3A : i32
    %jit3A_1 = arith.constant 1 : i32
    %select_n3A = arith.select %eq3A_0, %jit3A_1, %jit3A : i32
    %rem3A = vector.broadcast %select_n3A : i32 to vector<1x128xi32>
    %rem3A_2 = arith.remsi %iota3A, %rem3A : vector<1x128xi32>
    %ne3A = arith.constant 0 : i32
    %ne3A_3 = vector.broadcast %ne3A : i32 to vector<1x128xi32>
    %ne3A_4 = arith.cmpi ne, %rem3A_2, %ne3A_3 : vector<1x128xi32>
    %lt3A = arith.constant 0 : i32
    %lt3A_5 = vector.broadcast %lt3A : i32 to vector<1x128xi32>
    %lt3A_6 = arith.cmpi slt, %rem3A_2, %lt3A_5 : vector<1x128xi32>
    %lt3A_7 = arith.constant 0 : i32
    %lt3A_8 = arith.cmpi slt, %select_n3A, %lt3A_7 : i32
    %ne3A_9 = vector.broadcast %lt3A_8 : i1 to vector<1x128xi1>
    %ne3A_10 = vector.broadcast %ne3A_9 : vector<1x128xi1> to vector<1x128xi1>
    %ne3A_11 = arith.xori %lt3A_6, %ne3A_10 : vector<1x128xi1>
    %and3A = arith.andi %ne3A_11, %ne3A_4 : vector<1x128xi1>
    %add3A = vector.broadcast %select_n3A : i32 to vector<1x128xi32>
    %add3A_12 = arith.addi %rem3A_2, %add3A : vector<1x128xi32>
    %select_n3A_13 = arith.select %and3A, %add3A_12, %rem3A_2 : vector<1x128xi1>, vector<1x128xi32>
    %eq3A_14 = arith.constant 3 : i32
    %eq3A_15 = vector.broadcast %eq3A_14 : i32 to vector<1x128xi32>
    %eq3A_16 = arith.cmpi eq, %select_n3A_13, %eq3A_15 : vector<1x128xi32>
    %jit3A_17 = arith.constant 0.000000e+00 : f32
    %jit3A_18 = arith.constant 1.000000e+00 : f32
    %broadcast_in_dim3A = vector.broadcast %jit3A_17 : f32 to vector<1x128xf32>
    %broadcast_in_dim3A_19 = vector.broadcast %jit3A_18 : f32 to vector<1x128xf32>
    %select_n3A_20 = arith.select %eq3A_16, %broadcast_in_dim3A, %broadcast_in_dim3A_19 : vector<1x128xi1>, vector<1x128xf32>
    %jit3A_21 = arith.constant 1.000000e+00 : f32
    %jit3A_22 = arith.constant 0.000000e+00 : f32
    %broadcast_in_dim3A_23 = vector.broadcast %jit3A_21 : f32 to vector<1x128xf32>
    %broadcast_in_dim3A_24 = vector.broadcast %jit3A_22 : f32 to vector<1x128xf32>
    %select_n3A_25 = arith.select %eq3A_16, %broadcast_in_dim3A_23, %broadcast_in_dim3A_24 : vector<1x128xi1>, vector<1x128xf32>
    %get3A = arith.constant 0 : index
    %get3A_26 = arith.constant 0 : index
    %get3A_27 = arith.constant 0 : index
    %get3A_28 = vector.load %arg0[%get3A, %get3A_26, %get3A_27] : memref<2x3188x128xf32, #tpu.memory_space<vmem>>, vector<1x3188x128xf32>
    %get3A_29 = vector.shape_cast %get3A_28 : vector<1x3188x128xf32> to vector<3188x128xf32>
    %get3A_30 = arith.constant 1 : index
    %get3A_31 = arith.constant 0 : index
    %get3A_32 = arith.constant 0 : index
    %get3A_33 = vector.load %arg0[%get3A_30, %get3A_31, %get3A_32] : memref<2x3188x128xf32, #tpu.memory_space<vmem>>, vector<1x3188x128xf32>
    %get3A_34 = vector.shape_cast %get3A_33 : vector<1x3188x128xf32> to vector<3188x128xf32>
    %add3A_35 = arith.addf %get3A_29, %get3A_34 : vector<3188x128xf32>
    %get3A_36 = arith.constant 0 : index
    %get3A_37 = arith.constant 0 : index
    %get3A_38 = vector.load %arg1[%get3A_36, %get3A_37] : memref<128x128xf32, #tpu.memory_space<vmem>>, vector<128x128xf32>
    %dot_general3A = arith.constant dense<0.000000e+00> : vector<3188x128xf32>
    %dot_general3A_39 = tpu.matmul %add3A_35, %get3A_38, %dot_general3A {dimension_numbers = #tpu.dot_dimension_numbers<[1], [0], [0], [1], [0, 0, 1, 1], [], []>, transpose_lhs_hint = false} : vector<3188x128xf32>, vector<128x128xf32>, vector<3188x128xf32> -> vector<3188x128xf32>
    %gt3A = arith.constant 0.000000e+00 : f32
    %gt3A_40 = vector.broadcast %gt3A : f32 to vector<3188x128xf32>
    %gt3A_41 = arith.cmpf ogt, %dot_general3A_39, %gt3A_40 : vector<3188x128xf32>
    %gt3A_42 = arith.constant 0.000000e+00 : f32
    %gt3A_43 = vector.broadcast %gt3A_42 : f32 to vector<3188x128xf32>
    %gt3A_44 = arith.cmpf ogt, %dot_general3A_39, %gt3A_43 : vector<3188x128xf32>
    %jit3A_45 = arith.constant 1.000000e+00 : f32
    %broadcast_in_dim3A_46 = vector.broadcast %jit3A_45 : f32 to vector<3188x128xf32>
    %select_n3A_47 = arith.select %gt3A_44, %dot_general3A_39, %broadcast_in_dim3A_46 : vector<3188x128xi1>, vector<3188x128xf32>
    %div3A = arith.constant 1.000000e+00 : f32
    %div3A_48 = vector.broadcast %div3A : f32 to vector<3188x128xf32>
    %div3A_49 = arith.divf %div3A_48, %select_n3A_47 : vector<3188x128xf32>
    %jit3A_50 = arith.constant 0.000000e+00 : f32
    %broadcast_in_dim3A_51 = vector.broadcast %jit3A_50 : f32 to vector<3188x128xf32>
    %select_n3A_52 = arith.select %gt3A_41, %div3A_49, %broadcast_in_dim3A_51 : vector<3188x128xi1>, vector<3188x128xf32>
    %mul3A = arith.mulf %add3A_35, %select_n3A_52 : vector<3188x128xf32>
    %mul3A_53 = vector.broadcast %select_n3A_20 : vector<1x128xf32> to vector<3188x128xf32>
    %mul3A_54 = arith.mulf %mul3A, %mul3A_53 : vector<3188x128xf32>
    %get3A_55 = arith.constant 0 : index
    %get3A_56 = arith.constant 0 : index
    %get3A_57 = vector.load %arg2[%get3A_55, %get3A_56] : memref<128x512xf32, #tpu.memory_space<vmem>>, vector<128x512xf32>
    %dot_general3A_58 = arith.constant dense<0.000000e+00> : vector<3188x512xf32>
    %dot_general3A_59 = tpu.matmul %mul3A_54, %get3A_57, %dot_general3A_58 {dimension_numbers = #tpu.dot_dimension_numbers<[1], [0], [0], [1], [0, 0, 1, 1], [], []>, transpose_lhs_hint = false} : vector<3188x128xf32>, vector<128x512xf32>, vector<3188x512xf32> -> vector<3188x512xf32>
    %get3A_60 = arith.constant 0 : index
    %get3A_61 = arith.constant 0 : index
    %get3A_62 = vector.load %arg4[%get3A_60, %get3A_61] : memref<1x512xf32, #tpu.memory_space<vmem>>, vector<1x512xf32>
    %add3A_63 = vector.broadcast %get3A_62 : vector<1x512xf32> to vector<3188x512xf32>
    %add3A_64 = arith.addf %dot_general3A_59, %add3A_63 : vector<3188x512xf32>
    %logistic3A = arith.negf %add3A_64 : vector<3188x512xf32>
    %logistic3A_65 = math.exp %logistic3A : vector<3188x512xf32>
    %logistic3A_66 = arith.constant 1.000000e+00 : f32
    %logistic3A_67 = vector.broadcast %logistic3A_66 : f32 to vector<3188x512xf32>
    %logistic3A_68 = arith.addf %logistic3A_67, %logistic3A_65 : vector<3188x512xf32>
    %logistic3A_69 = arith.divf %logistic3A_67, %logistic3A_68 : vector<3188x512xf32>
    %mul3A_70 = arith.mulf %add3A_64, %logistic3A_69 : vector<3188x512xf32>
    %get3A_71 = arith.constant 0 : index
    %get3A_72 = arith.constant 0 : index
    %get3A_73 = vector.load %arg3[%get3A_71, %get3A_72] : memref<512x128xf32, #tpu.memory_space<vmem>>, vector<512x128xf32>
    %dot_general3A_74 = arith.constant dense<0.000000e+00> : vector<3188x128xf32>
    %dot_general3A_75 = tpu.matmul %mul3A_70, %get3A_73, %dot_general3A_74 {dimension_numbers = #tpu.dot_dimension_numbers<[1], [0], [0], [1], [0, 0, 1, 1], [], []>, transpose_lhs_hint = false} : vector<3188x512xf32>, vector<512x128xf32>, vector<3188x128xf32> -> vector<3188x128xf32>
    %add3A_76 = vector.broadcast %select_n3A_25 : vector<1x128xf32> to vector<3188x128xf32>
    %add3A_77 = arith.addf %dot_general3A_75, %add3A_76 : vector<3188x128xf32>
    %swap3A = arith.constant 0 : index
    %swap3A_78 = arith.constant 0 : index
    %swap3A_79 = vector.load %arg5[%swap3A, %swap3A_78] : memref<3188x128xf32, #tpu.memory_space<vmem>>, vector<3188x128xf32>
    tpu.vector_store %arg5[%swap3A, %swap3A_78], %add3A_77 {strides = array<i32>} : memref<3188x128xf32, #tpu.memory_space<vmem>>, vector<3188x128xf32>,
    return
  }
}

module attributes {stable_mosaic.version = 14 : i64} {
  func.func @_final_body(%arg0: memref<2x3188x128xf32, #tpu.memory_space<vmem>>, %arg1: memref<128x128xf32, #tpu.memory_space<vmem>>, %arg2: memref<1x128xf32, #tpu.memory_space<vmem>>, %arg3: memref<3188x128xf32, #tpu.memory_space<vmem>>) attributes {dimension_semantics = [], scalar_prefetch = 0 : i64, scratch_operands = 0 : i64, tpu.core_type = #tpu.core_type<tc>} {
    %iota3A = tpu.iota {dimensions = array<i32: 1>} : vector<1x128xi32>
    %jit3A = arith.constant 4 : i32
    %eq3A = arith.constant 0 : i32
    %eq3A_0 = arith.cmpi eq, %jit3A, %eq3A : i32
    %jit3A_1 = arith.constant 1 : i32
    %select_n3A = arith.select %eq3A_0, %jit3A_1, %jit3A : i32
    %rem3A = vector.broadcast %select_n3A : i32 to vector<1x128xi32>
    %rem3A_2 = arith.remsi %iota3A, %rem3A : vector<1x128xi32>
    %ne3A = arith.constant 0 : i32
    %ne3A_3 = vector.broadcast %ne3A : i32 to vector<1x128xi32>
    %ne3A_4 = arith.cmpi ne, %rem3A_2, %ne3A_3 : vector<1x128xi32>
    %lt3A = arith.constant 0 : i32
    %lt3A_5 = vector.broadcast %lt3A : i32 to vector<1x128xi32>
    %lt3A_6 = arith.cmpi slt, %rem3A_2, %lt3A_5 : vector<1x128xi32>
    %lt3A_7 = arith.constant 0 : i32
    %lt3A_8 = arith.cmpi slt, %select_n3A, %lt3A_7 : i32
    %ne3A_9 = vector.broadcast %lt3A_8 : i1 to vector<1x128xi1>
    %ne3A_10 = vector.broadcast %ne3A_9 : vector<1x128xi1> to vector<1x128xi1>
    %ne3A_11 = arith.xori %lt3A_6, %ne3A_10 : vector<1x128xi1>
    %and3A = arith.andi %ne3A_11, %ne3A_4 : vector<1x128xi1>
    %add3A = vector.broadcast %select_n3A : i32 to vector<1x128xi32>
    %add3A_12 = arith.addi %rem3A_2, %add3A : vector<1x128xi32>
    %select_n3A_13 = arith.select %and3A, %add3A_12, %rem3A_2 : vector<1x128xi1>, vector<1x128xi32>
    %eq3A_14 = arith.constant 3 : i32
    %eq3A_15 = vector.broadcast %eq3A_14 : i32 to vector<1x128xi32>
    %eq3A_16 = arith.cmpi eq, %select_n3A_13, %eq3A_15 : vector<1x128xi32>
    %jit3A_17 = arith.constant 0.000000e+00 : f32
    %jit3A_18 = arith.constant 1.000000e+00 : f32
    %broadcast_in_dim3A = vector.broadcast %jit3A_17 : f32 to vector<1x128xf32>
    %broadcast_in_dim3A_19 = vector.broadcast %jit3A_18 : f32 to vector<1x128xf32>
    %select_n3A_20 = arith.select %eq3A_16, %broadcast_in_dim3A, %broadcast_in_dim3A_19 : vector<1x128xi1>, vector<1x128xf32>
    %get3A = arith.constant 0 : index
    %get3A_21 = arith.constant 0 : index
    %get3A_22 = arith.constant 0 : index
    %get3A_23 = vector.load %arg0[%get3A, %get3A_21, %get3A_22] : memref<2x3188x128xf32, #tpu.memory_space<vmem>>, vector<1x3188x128xf32>
    %get3A_24 = vector.shape_cast %get3A_23 : vector<1x3188x128xf32> to vector<3188x128xf32>
    %get3A_25 = arith.constant 1 : index
    %get3A_26 = arith.constant 0 : index
    %get3A_27 = arith.constant 0 : index
    %get3A_28 = vector.load %arg0[%get3A_25, %get3A_26, %get3A_27] : memref<2x3188x128xf32, #tpu.memory_space<vmem>>, vector<1x3188x128xf32>
    %get3A_29 = vector.shape_cast %get3A_28 : vector<1x3188x128xf32> to vector<3188x128xf32>
    %add3A_30 = arith.addf %get3A_24, %get3A_29 : vector<3188x128xf32>
    %get3A_31 = arith.constant 0 : index
    %get3A_32 = arith.constant 0 : index
    %get3A_33 = vector.load %arg1[%get3A_31, %get3A_32] : memref<128x128xf32, #tpu.memory_space<vmem>>, vector<128x128xf32>
    %dot_general3A = arith.constant dense<0.000000e+00> : vector<3188x128xf32>
    %dot_general3A_34 = tpu.matmul %add3A_30, %get3A_33, %dot_general3A {dimension_numbers = #tpu.dot_dimension_numbers<[1], [0], [0], [1], [0, 0, 1, 1], [], []>, transpose_lhs_hint = false} : vector<3188x128xf32>, vector<128x128xf32>, vector<3188x128xf32> -> vector<3188x128xf32>
    %gt3A = arith.constant 0.000000e+00 : f32
    %gt3A_35 = vector.broadcast %gt3A : f32 to vector<3188x128xf32>
    %gt3A_36 = arith.cmpf ogt, %dot_general3A_34, %gt3A_35 : vector<3188x128xf32>
    %gt3A_37 = arith.constant 0.000000e+00 : f32
    %gt3A_38 = vector.broadcast %gt3A_37 : f32 to vector<3188x128xf32>
    %gt3A_39 = arith.cmpf ogt, %dot_general3A_34, %gt3A_38 : vector<3188x128xf32>
    %jit3A_40 = arith.constant 1.000000e+00 : f32
    %broadcast_in_dim3A_41 = vector.broadcast %jit3A_40 : f32 to vector<3188x128xf32>
    %select_n3A_42 = arith.select %gt3A_39, %dot_general3A_34, %broadcast_in_dim3A_41 : vector<3188x128xi1>, vector<3188x128xf32>
    %div3A = arith.constant 1.000000e+00 : f32
    %div3A_43 = vector.broadcast %div3A : f32 to vector<3188x128xf32>
    %div3A_44 = arith.divf %div3A_43, %select_n3A_42 : vector<3188x128xf32>
    %jit3A_45 = arith.constant 0.000000e+00 : f32
    %broadcast_in_dim3A_46 = vector.broadcast %jit3A_45 : f32 to vector<3188x128xf32>
    %select_n3A_47 = arith.select %gt3A_36, %div3A_44, %broadcast_in_dim3A_46 : vector<3188x128xi1>, vector<3188x128xf32>
    %mul3A = arith.mulf %add3A_30, %select_n3A_47 : vector<3188x128xf32>
    %mul3A_48 = vector.broadcast %select_n3A_20 : vector<1x128xf32> to vector<3188x128xf32>
    %mul3A_49 = arith.mulf %mul3A, %mul3A_48 : vector<3188x128xf32>
    %get3A_50 = arith.constant 0 : index
    %get3A_51 = arith.constant 0 : index
    %get3A_52 = vector.load %arg2[%get3A_50, %get3A_51] : memref<1x128xf32, #tpu.memory_space<vmem>>, vector<1x128xf32>
    %add3A_53 = vector.broadcast %get3A_52 : vector<1x128xf32> to vector<3188x128xf32>
    %add3A_54 = arith.addf %mul3A_49, %add3A_53 : vector<3188x128xf32>
    %logistic3A = arith.negf %add3A_54 : vector<3188x128xf32>
    %logistic3A_55 = math.exp %logistic3A : vector<3188x128xf32>
    %logistic3A_56 = arith.constant 1.000000e+00 : f32
    %logistic3A_57 = vector.broadcast %logistic3A_56 : f32 to vector<3188x128xf32>
    %logistic3A_58 = arith.addf %logistic3A_57, %logistic3A_55 : vector<3188x128xf32>
    %logistic3A_59 = arith.divf %logistic3A_57, %logistic3A_58 : vector<3188x128xf32>
    %mul3A_60 = arith.mulf %add3A_54, %logistic3A_59 : vector<3188x128xf32>
    %swap3A = arith.constant 0 : index
    %swap3A_61 = arith.constant 0 : index
    %swap3A_62 = vector.load %arg3[%swap3A, %swap3A_61] : memref<3188x128xf32, #tpu.memory_space<vmem>>, vector<3188x128xf32>
    tpu.vector_store %arg3[%swap3A, %swap3A_61], %mul3A_60 {strides = array<i32>} : memref<3188x128xf32, #tpu.memory_space<vmem>>, vector<3188x128xf32>,
    return
  }
}

</mosaic_0001>

<sc_bundles>
// kernel: kernel.11.cloned.1.call-start
scs
__scs_entry_jumppad:
0x0: {  	(pc) =	sbr.rel $0x88, $3  }
0x1: {  	(tag) =	ssettag $0x0;
	lr =	simm.s32 $0x1  }
0x2: {  	[smem:$0x3F94] =	sst lr;
	_ =	strace $0xD0000000  }
0x3: {  	_ = 	snop  }
0x4: {  	_ = 	snop  }
0x5: {  	_ = 	snop  }
0x6: {  	_ = 	snop  }
0x7: {  	_ = 	snop  }
__scs_overlays_trampoline_lowered:
0x8: {  	[smem:$0x3FA3] =	sst s0  }
0x9: {  	[smem:$0x3FA4] =	sst s1  }
0xa: {  	[smem:$0x3FA5] =	sst s2  }
0xb: {  	[smem:$0x3FA6] =	sst s3  }
0xc: {  	[smem:$0x3FA7] =	sst s4  }
0xd: {  	[smem:$0x3FA8] =	sst s5  }
0xe: {  	[smem:$0x3FA9] =	sst s6  }
0xf: {  	[smem:$0x3FAA] =	sst s7  }
0x10: {  	[smem:$0x3FAB] =	sst s8  }
0x11: {  	[smem:$0x3FAC] =	sst s9;
	s0 =	simm.s32 @!p0 $0x0  }
0x12: {  	s1 =	sld [smem:$0x3F92];
	s0 =	simm.s32 @p0 $0x1  }
0x13: {  	[smem:$0x3FAD] =	sst s0;
	s0 =	simm.s32 @!p1 $0x0  }
0x14: {  	s2 =	sld [smem:$0x3F91];
	s0 =	simm.s32 @p1 $0x1  }
0x15: {  	[smem:$0x3FAE] =	sst s0;
	s0 =	simm.s32 @!p2 $0x0  }
0x16: {  	s3 =	sld [smem:$0x3FDB];
	s0 =	simm.s32 @p2 $0x1  }
0x17: {  	s4 =	simm.s32 $0x1BF5;
	[smem:$0x3FB0] =	sst s0  }
0x18: {  	s0 =	sld [smem:$0x3F93];
	_ =	swait.ge [sflag:s4], $0x0  }
0x19: {  	s7 =	sld [smem:$0x3F94]  }
0x1a: {  	s8 =	sadd.s32 $0xFFFFE003, lr  }
0x1b: {  	s9 =	sadd.s32 $0xFFFFFEF7, lr;
	s5 =	simm.s32 $0xFFFFFFFF;
	p2 =	slt.u32 s8, $0xFFFFF086  }
0x1c: {  	p1 =	slt.u32 s9, $0xF7A;
	s5 =	simm.s32 @!p2 $0x0  }
0x1d: {  	s5 =	simm.s32 @p1 $0x1;
	p0 =	seq.s32 s7, s2  }
0x1e: {  	s7 =	smul.u32 @!p0 $0xF7A, s2;
	p2 =	seq.s32 @!p0 s5, $0x0  }
0x1f: {  	s9 =	smul.u32 $0xF7A, s1;
	s8 =	simm.s32 @!p0 $0x1BF5;
	p2 =	por !p2, p0  }
0x20: {  	[sflag:s8] =	ssyncset.s32 @!p0 $0xFFFFF086;
	s6 =	sadd.s32 @!p0 s3, s7;
	s7 =	simm.s32 @!p0 $0x108  }
0x21: {  	s3 =	sadd.s32 s3, s9;
	s6 =	sadd.s32 @!p0 $0x88, s6;
	s7 =	simm.s32 @p2 $0x1082  }
0x22: {  	[simem:s7], [sflag:s8] =	dma.local @!p0 [hbm:s6], $0xF7A  }
0x23: {  	s9 =	sor.u32 $0xD0000000, s2;
	s6 =	simm.s32 $0x108;
	_ =	swait.ge @!p0 [sflag:s8], $0x0  }
0x24: {  	s3 =	sadd.s32 $0x88, s3;
	s6 =	simm.s32 @!p1 $0x1082;
	[sflag:s4] =	ssyncset.s32 $0xFFFFF086  }
0x25: {  	[simem:s6], [sflag:s4] =	dma.local [hbm:s3], $0xF7A  }
0x26: {  	[smem:$0x3F94] =	sst s1;
	(tag) =	ssettag s2;
	_ =	strace s9  }
0x27: {  	s1 =	sld [smem:$0x3FA4]  }
0x28: {  	s2 =	sld [smem:$0x3FA5]  }
0x29: {  	s4 =	sld [smem:$0x3FA7]  }
0x2a: {  	p0 =	seq.s32 s5, $0x0;
	s5 =	sld [smem:$0x3FA8]  }
0x2b: {  	s6 =	sld [smem:$0x3FA9]  }
0x2c: {  	s7 =	sld [smem:$0x3FAA]  }
0x2d: {  	s3 =	simm.s32 $0x108;
	s8 =	sld [smem:$0x3FAB]  }
0x2e: {  	s3 =	simm.s32 @!p0 $0x1082;
	s9 =	sld [smem:$0x3FAC]  }
0x2f: {  	lr =	sadd.s32 s0, s3;
	s0 =	sld [smem:$0x3FA3]  }
0x30: {  	s3 =	sld [smem:$0x3FA6]  }
0x31: {  	[smem:$0x3FAF] =	sst s10  }
0x32: {  	s10 =	sld [smem:$0x3FAD];
	_ =	sdelay $0x3  }
0x33: {  	p0 =	seq.s32 s10, $0x1;
	s10 =	sld [smem:$0x3FAF];
	_ =	sdelay $0x3  }
0x34: {  	[smem:$0x3FAF] =	sst s10  }
0x35: {  	s10 =	sld [smem:$0x3FAE];
	_ =	sdelay $0x3  }
0x36: {  	p1 =	seq.s32 s10, $0x1;
	s10 =	sld [smem:$0x3FAF];
	_ =	sdelay $0x3  }
0x37: {  	[smem:$0x3FAF] =	sst s10  }
0x38: {  	s10 =	sld [smem:$0x3FB0]  }
0x39: {  	_ = 	snop;
	(pc) =	sbr.ind lr, $3  }
0x3a: {  	_ = 	snop  }
0x3b: {  	_ = 	snop  }
0x3c: {  	p2 =	seq.s32 s10, $0x1;
	s10 =	sld [smem:$0x3FAF]  }
0x3d: {  	_ =	shalt  }
0x3e: {  	_ =	shalt  }
0x3f: {  	_ =	shalt  }
0x40: {  	_ =	shalt  }
0x41: {  	_ =	shalt  }
0x42: {  	_ =	shalt  }
0x43: {  	_ =	shalt  }
0x44: {  	_ =	shalt  }
0x45: {  	_ =	shalt  }
0x46: {  	_ =	shalt  }
0x47: {  	_ =	shalt  }
0x48: {  	_ =	shalt  }
0x49: {  	_ =	shalt  }
0x4a: {  	_ =	shalt  }
0x4b: {  	_ =	shalt  }
0x4c: {  	_ =	shalt  }
0x4d: {  	_ =	shalt  }
0x4e: {  	_ =	shalt  }
0x4f: {  	_ =	shalt  }
0x50: {  	_ =	shalt  }
0x51: {  	_ =	shalt  }
0x52: {  	_ =	shalt  }
0x53: {  	_ =	shalt  }
0x54: {  	_ =	shalt  }
0x55: {  	_ =	shalt  }
0x56: {  	_ =	shalt  }
0x57: {  	_ =	shalt  }
0x58: {  	_ =	shalt  }
0x59: {  	_ =	shalt  }
0x5a: {  	_ =	shalt  }
0x5b: {  	_ =	shalt  }
0x5c: {  	_ =	shalt  }
0x5d: {  	_ =	shalt  }
0x5e: {  	_ =	shalt  }
0x5f: {  	_ =	shalt  }
0x60: {  	_ =	shalt  }
0x61: {  	_ =	shalt  }
0x62: {  	_ =	shalt  }
0x63: {  	_ =	shalt  }
0x64: {  	_ =	shalt  }
0x65: {  	_ =	shalt  }
0x66: {  	_ =	shalt  }
0x67: {  	_ =	shalt  }
0x68: {  	_ =	shalt  }
0x69: {  	_ =	shalt  }
0x6a: {  	_ =	shalt  }
0x6b: {  	_ =	shalt  }
0x6c: {  	_ =	shalt  }
0x6d: {  	_ =	shalt  }
0x6e: {  	_ =	shalt  }
0x6f: {  	_ =	shalt  }
0x70: {  	_ =	shalt  }
0x71: {  	_ =	shalt  }
0x72: {  	_ =	shalt  }
0x73: {  	_ =	shalt  }
0x74: {  	_ =	shalt  }
0x75: {  	_ =	shalt  }
0x76: {  	_ =	shalt  }
0x77: {  	_ =	shalt  }
0x78: {  	_ =	shalt  }
0x79: {  	_ =	shalt  }
0x7a: {  	_ =	shalt  }
0x7b: {  	_ =	shalt  }
0x7c: {  	_ =	shalt  }
0x7d: {  	_ =	shalt  }
0x7e: {  	_ =	shalt  }
0x7f: {  	_ =	shalt  }
0x80: {  	_ =	shalt  }
0x81: {  	_ =	shalt  }
0x82: {  	_ =	shalt  }
0x83: {  	_ =	shalt  }
0x84: {  	_ =	shalt  }
0x85: {  	_ =	shalt  }
0x86: {  	_ =	shalt  }
0x87: {  	_ =	shalt  }
.Lfunc_end0:
.L_simem_size_0:
called_computation_lowered:
.L_overlay_start_0:
0x88: {  	s2 =	sld [smem:$0x3FD9]  }
0x89: {  	s3 =	sld [smem:$0x3FFE];
	_ =	sdelay $0x1  }
0x8a: {  	s1 =	srdreg.scid  }
0x8b: {  	s0 =	sand.u32 $0x1, s1  }
0x8c: {  	s16 =	sshll.u32 s0, $0xA;
	s2 =	sadd.s32 s3, s2  }
0x8d: {  	s2 =	sadd.s32 s2, s16  }
0x8e: {  	[smem:$0x3FBB] =	sst s2  }
0x8f: {  	_ = 	snop  }
0x90: {  	(tm) =	ssettm $0x1  }
0x91: {  	s17 =	sld [smem:$0x3FFB];
	_ =	sdelay $0x3  }
0x92: {  	_ =	strace s17  }
0x93: {  	s2 =	sld [smem:$0x3FFC];
	_ =	sdelay $0x3  }
0x94: {  	_ =	strace s2  }
0x95: {  	s2 =	sld [smem:$0x3FFD];
	_ =	sdelay $0x3  }
0x96: {  	_ =	strace s2  }
0x97: {  	_ =	strace $0x8FFFFFFF  }
0x98: {  	s18 =	sld [smem:$0x3FDB];
	_ =	sdelay $0x1  }
0x99: {  	s19 =	simm.s32 $_scs_section_size  }
0x9a: {  	s4 =	simm.s32 $_size__tile_overlayer_lowered;
	s5 =	simm.s32 $_tile_overlayer_lowered  }
0x9b: {  	s22 =	simm.s32 $0x1BFF;
	s21 =	sshll.u32 s5, $0x1;
	s2 =	sadd.s32 s19, s18  }
0x9c: {  	s6 =	simm.s32 $0x0;
	s20 =	sshll.u32 s4, $0x1;
	s4 =	sadd.s32 s21, s2  }
0x9d: {  	[timem:s6], [sflag:s22] =	dma.local [hbm:s4], s20  }
0x9e: {  	_ =	swait.ge [sflag:s22], s20  }
0x9f: {  	s3 =	ssub.s32 $0x0, s20;
	[sflag:s22] =	ssyncset.done $0x0  }
0xa0: {  	[sflag:s22] =	ssyncadd.s32 s3;
	_ =	sdelay $0x1  }
0xa1: {  	s23 =	simm.s32 $0x1B8B  }
0xa2: {  	_ =	swait.ge [sflag:s23], $0x1  }
0xa3: {  	[sflag:s23] =	ssyncset.done $0x0  }
0xa4: {  	s25 =	simm.s32 $0x1B8E;
	s24 =	sld [smem:$0x3FFE];
	[sflag:s23] =	ssyncadd.s32 $0xFFFFFFFF  }
0xa5: {  	s26 =	simm.s32 $execute0_lowered;
	[smem:$0x3FD2] =	sst s25  }
0xa6: {  	s4 =	sshll.u32 s26, $0x1;
	_ =	strace $0x80000046;
	[dreg:$0x1] =	wrdreg $0xFFFFFFFF  }
0xa7: {  	s28 =	simm.s32 $_size_execute0_lowered;
	s2 =	sadd.s32 s2, s4;
	[dreg:$0x0] =	wrdreg $0x0  }
0xa8: {  	s4 =	sshll.u32 s28, $0x1;
	[dreg:$0x2] =	wrdreg s2  }
0xa9: {  	[dreg:$0x3] =	wrdreg s4  }
0xaa: {  	[dreg:$0x4] =	wrdreg $0xC0  }
0xab: {  	_ =	task [dreg:s6], $0x5FFFF  }
0xac: {  	[dreg:$0x1] =	wrdreg $0xFFFFFFFF  }
0xad: {  	[dreg:$0x0] =	wrdreg $0x60  }
0xae: {  	[dreg:$0x2] =	wrdreg s24  }
0xaf: {  	[dreg:$0x3] =	wrdreg $0xCC400  }
0xb0: {  	[dreg:$0x4] =	wrdreg $0x12FE00  }
0xb1: {  	[dreg:$0x5] =	wrdreg $0x9  }
0xb2: {  	_ =	task.clear_ibuf [dreg:s6], $0x6FFFF;
	_ =	strace $0x90000046  }
0xb3: {  	s29 =	simm.s32 $0x9;
	_ =	strace $0x80000048  }
0xb4: {  	_ =	swait.ge [sflag:s29], $0x1  }
0xb5: {  	[sflag:s29] =	ssyncadd.s32 $0xFFFFFFFF  }
0xb6: {  	_ =	strace $0x90000048  }
0xb7: {  	_ =	sfence  }
0xb8: {  	s30 =	sld [smem:$0x0];
	_ =	sdelay $0x2  }
0xb9: {  	s31 =	sshll.u32 s1, $0xD;
	s1 =	sshrl.u32 s1, $0x2  }
0xba: {  	s3 =	sand.u32 $0x4000, s31;
	s1 =	sadd.s32 s1, s30  }
0xbb: {  	s0 =	sor.u32 s3, s0;
	s1 =	sshll.u32 s1, $0x11  }
0xbc: {  	s0 =	sor.u32 s1, s0  }
0xbd: {  	s0 =	sadd.s32 $0x8F2B, s0  }
0xbe: {  	[sflag:s0] =	ssyncadd.remote.s32 $0x1  }
0xbf: {  	_ =	sfence.sel $0xFFFF  }
0xc0: {  	[dreg:$0x0] =	wrdreg $0xFFFFFFFF;
	(pc) =	sbr.abs _section_cstart, $3  }
0xc1: {  	[dreg:$0x1] =	wrdreg $0xFFFFFFFF  }
0xc2: {  	_ =	task.clear_ibuf [dreg:s6], $0x2FFFF;
	_ =	strace $0x9FFFFFFF  }
0xc3: {  	(tm) =	ssettm $0x7FFFFFFF  }
tec
execute0_lowered:
.L_overlay_start_1:
0x0: {  	(tag) =	ssettag $0x1  }
0x1: {  	s5 =	rddreg [dreg:$0x0]  }
0x2: {  	s1 =	srdreg.scid;
	s2 =	rddreg [dreg:$0x1]  }
0x3: {  	s0 =	stileid.u32;
	s3 =	rddreg [dreg:$0x2]  }
0x4: {  	s4 =	simm.s32 $0x0;
	s13 =	simm.s32 $0x500;
	s14 =	simm.s32 $0x1  }
0x5: {  	s15 =	simm.s32 $0x80;
	s16 =	simm.s32 $0x100;
	s7 =	smul.u32 $0x19000, s0  }
0x6: {  	s6 =	sand.u32 $0x1, s1;
	s1 =	rddreg [dreg:$0x3];
	s30 =	smul.u32 $0xC740, s0  }
0x7: {  	s17 =	simm.s32 $0x0;
	[smem:$0x7FF] =	sst s4;
	s8 =	smul.u32 $0xC800, s6  }
0x8: {  	s9 =	smul.u32 $0xC7400, s6;
	_ =	strace $0x80000047;
	s6 =	ssub.s32 $0x2, s6  }
0x9: {  	s31 =	sshrl.u32 s30, $0x3;
	s10 =	sshrl.u32 s6, $0x1;
	s7 =	sadd.s32 s8, s7  }
0xa: {  	s9 =	sadd.s32 s30, s9;
	s10 =	ssub.s32 s6, s10;
	s6 =	sadd.s32 s30, s2  }
0xb: {  	s8 =	sadd.s32 s30, s3;
	s7 =	sshrl.u32 s7, $0x3;
	s9 =	sshrl.u32 s9, $0x3  }
0xc: {  	s10 =	smax.u32 s10, $0x1;
	s12 =	sadd.s32 s7, s5;
	s7 =	sadd.s32 s31, s5  }
0xd: {  	s9 =	sadd.s32 s9, s5;
	s5 =	sadd.s32 $0x1AA000, s7;
	s7 =	sadd.s32 $0x191000, s7  }
0xe: {  	s9 =	sadd.s32 $0x66800, s9;
	s11 =	sadd.s32 $0x2800, s12;
	s12 =	sadd.s32 $0x34800, s12  }
.LBB2_1:
0xf: {  	[tilespmem:s13], [sflag:$0x1] =	stream.linear.gather [hbm4b:s5+s4], $0xC740, $0x38;
	[tilespmem:$0x19380] =	vst v63  }
0x10: {  	_ =	swait.ge [sflag:s14], $0xC740  }
0x11: {  	[sflag:s14] =	ssyncset.done $0x0  }
0x12: {  	[sflag:s14] =	ssyncadd.s32 $0xFFFF38C0  }
0x13: {  	[spmem:s6] =	stream.linear.scatter [tilespmem:s13], [sflag:$0x1], $0xC740, $0x38;
	[tilespmem:$0x19380] =	vst v63  }
0x14: {  	_ =	swait.ge [sflag:s14], $0xC740  }
0x15: {  	[sflag:s14] =	ssyncset.done $0x0  }
0x16: {  	[sflag:s14] =	ssyncadd.s32 $0xFFFF38C0  }
0x17: {  	[tilespmem:s13], [sflag:$0x1] =	stream.linear.gather [hbm4b:s7+s4], $0xC740, $0x38;
	[tilespmem:$0x19380] =	vst v63  }
0x18: {  	_ =	swait.ge [sflag:s14], $0xC740  }
0x19: {  	[sflag:s14] =	ssyncset.done $0x0  }
0x1a: {  	[sflag:s14] =	ssyncadd.s32 $0xFFFF38C0  }
0x1b: {  	[spmem:s8] =	stream.linear.scatter [tilespmem:s13], [sflag:$0x1], $0xC740, $0x38;
	[tilespmem:$0x19380] =	vst v63  }
0x1c: {  	_ =	swait.ge [sflag:s14], $0xC740  }
0x1d: {  	[sflag:s14] =	ssyncset.done $0x0  }
0x1e: {  	[sflag:s14] =	ssyncadd.s32 $0xFFFF38C0  }
0x1f: {  	s18 =	sadd.s32 $0x0, s12;
	[bflag:$0x0] =	sbarrier.arrive $0xFFFF  }
0x20: {  	[tilespmem:s4], [sflag:$0x1] =	stream.linear.gather [hbm4b:s18+s4], $0x80, $0x38;
	[tilespmem:$0x19380] =	vst v63  }
0x21: {  	_ =	swait.ge [sflag:s14], $0x80  }
0x22: {  	[sflag:s14] =	ssyncset.done $0x0  }
0x23: {  	s31 =	sadd.s32 $0x0, s11;
	[sflag:s14] =	ssyncadd.s32 $0xFFFFFF80  }
0x24: {  	[tilespmem:s15], [sflag:$0x1] =	stream.linear.gather [hbm4b:s31+s4], $0x80, $0x38;
	[tilespmem:$0x19380] =	vst v63  }
0x25: {  	_ =	swait.ge [sflag:s14], $0x80  }
0x26: {  	[sflag:s14] =	ssyncset.done $0x0  }
0x27: {  	[sflag:s14] =	ssyncadd.s32 $0xFFFFFF80  }
0x28: {  	[tilespmem:s16], [sflag:$0x1] =	stream.indirect.gather [spmem:s2], $0x4, s4, s15, $0xb8;
	[tilespmem:$0x19380] =	vst v63  }
0x29: {  	_ =	swait.ge [sflag:s14], $0x200  }
0x2a: {  	[sflag:s14] =	ssyncset.done $0x0  }
0x2b: {  	[sflag:s14] =	ssyncadd.s32 $0xFFFFFE00  }
0x2c: {  	[spmem:s3] =	stream.indirect.scatter.add.f32 [tilespmem:s16], [sflag:$0x1], $0x4, s15, s15, $0xb8;
	[tilespmem:$0x19380] =	vst v63  }
0x2d: {  	_ =	swait.ge [sflag:s14], $0x200  }
0x2e: {  	s19 =	simm.s32 $0x20;
	s18 =	simm.s32 $0x10;
	[sflag:s14] =	ssyncset.done $0x0  }
.LBB2_2:
0x2f: {  	s20 =	sadd.s32 s18, s12  }
0x30: {  	[sflag:s14] =	ssyncadd.s32 $0xFFFFFE00;
	s21 =	smov.u32 s19;
	s22 =	sadd.s32 $0x10, s19  }
0x31: {  	[tilespmem:s4], [sflag:$0x1] =	stream.linear.gather [hbm4b:s20+s4], $0x80, $0x38;
	[tilespmem:$0x19380] =	vst v63  }
0x32: {  	p0 =	sne.s32 s19, $0x18F0;
	_ =	swait.ge [sflag:s14], $0x80  }
0x33: {  	[sflag:s14] =	ssyncset.done $0x0  }
0x34: {  	s19 =	sadd.s32 s18, s11;
	s18 =	smov.u32 s21;
	[sflag:s14] =	ssyncadd.s32 $0xFFFFFF80  }
0x35: {  	[tilespmem:s15], [sflag:$0x1] =	stream.linear.gather [hbm4b:s19+s4], $0x80, $0x38;
	[tilespmem:$0x19380] =	vst v63  }
0x36: {  	_ =	swait.ge [sflag:s14], $0x80  }
0x37: {  	[sflag:s14] =	ssyncset.done $0x0  }
0x38: {  	[sflag:s14] =	ssyncadd.s32 $0xFFFFFF80  }
0x39: {  	[tilespmem:s16], [sflag:$0x1] =	stream.indirect.gather [spmem:s2], $0x4, s4, s15, $0xb8;
	[tilespmem:$0x19380] =	vst v63  }
0x3a: {  	_ =	swait.ge [sflag:s14], $0x200  }
.Ltmp0:
0x3b: {  	[sflag:s14] =	ssyncset.done $0x0;
	(pc) =	sbr.rel @p0 .LBB2_2-.Ltmp0, $4  }
0x3c: {  	[sflag:s14] =	ssyncadd.s32 $0xFFFFFE00  }
0x3d: {  	[spmem:s3] =	stream.indirect.scatter.add.f32 [tilespmem:s16], [sflag:$0x1], $0x4, s15, s15, $0xb8;
	[tilespmem:$0x19380] =	vst v63  }
0x3e: {  	_ =	swait.ge [sflag:s14], $0x200  }
0x3f: {  	s19 =	smov.u32 s22;
	[sflag:s14] =	ssyncset.done $0x0  }
0x40: {  	s19 =	sadd.s32 s18, s12;
	[sflag:s14] =	ssyncadd.s32 $0xFFFFFE00  }
0x41: {  	[tilespmem:s4], [sflag:$0x1] =	stream.linear.gather [hbm4b:s19+s4], $0x80, $0x38;
	[tilespmem:$0x19380] =	vst v63  }
0x42: {  	_ =	swait.ge [sflag:s14], $0x80  }
0x43: {  	[sflag:s14] =	ssyncset.done $0x0  }
0x44: {  	s31 =	sadd.s32 s18, s11;
	[sflag:s14] =	ssyncadd.s32 $0xFFFFFF80  }
0x45: {  	[tilespmem:s15], [sflag:$0x1] =	stream.linear.gather [hbm4b:s31+s4], $0x80, $0x38;
	[tilespmem:$0x19380] =	vst v63  }
0x46: {  	_ =	swait.ge [sflag:s14], $0x80  }
0x47: {  	[sflag:s14] =	ssyncset.done $0x0  }
0x48: {  	[sflag:s14] =	ssyncadd.s32 $0xFFFFFF80  }
0x49: {  	[tilespmem:s16], [sflag:$0x1] =	stream.indirect.gather [spmem:s2], $0x4, s4, s15, $0xb8;
	[tilespmem:$0x19380] =	vst v63  }
0x4a: {  	_ =	swait.ge [sflag:s14], $0x200  }
0x4b: {  	[sflag:s14] =	ssyncset.done $0x0  }
0x4c: {  	[sflag:s14] =	ssyncadd.s32 $0xFFFFFE00  }
0x4d: {  	[spmem:s3] =	stream.indirect.scatter.add.f32 [tilespmem:s16], [sflag:$0x1], $0x4, s15, s15, $0xb8;
	[tilespmem:$0x19380] =	vst v63  }
0x4e: {  	_ =	swait.ge [sflag:s14], $0x200  }
0x4f: {  	[sflag:s14] =	ssyncset.done $0x0  }
0x50: {  	[sflag:s14] =	ssyncadd.s32 $0xFFFFFE00  }
0x51: {  	[bflag:$0x0] =	sbarrier.arrive $0xFFFF  }
0x52: {  	[tilespmem:s13], [sflag:$0x1] =	stream.linear.gather [spmem:s8], $0xC740, $0x38;
	[tilespmem:$0x19380] =	vst v63  }
0x53: {  	s17 =	sadd.s32 $0x1, s17;
	_ =	swait.ge [sflag:s14], $0xC740  }
0x54: {  	p0 =	sne.s32 s17, s10;
	[sflag:s14] =	ssyncset.done $0x0  }
.Ltmp1:
0x55: {  	[sflag:s14] =	ssyncadd.s32 $0xFFFF38C0;
	(pc) =	sbr.rel @p0 .LBB2_1-.Ltmp1, $4  }
0x56: {  	[hbm4b:s9+s4] =	stream.linear.scatter [tilespmem:s13], [sflag:$0x1], $0xC740, $0x38;
	[tilespmem:$0x19380] =	vst v63  }
0x57: {  	_ =	swait.ge [sflag:s14], $0xC740  }
0x58: {  	[sflag:s14] =	ssyncset.done $0x0  }
0x59: {  	[sflag:s14] =	ssyncadd.s32 $0xFFFF38C0  }
0x5a: {  	_ =	sfence.sel $0x180000  }
0x5b: {  	[bflag:$0x0] =	sbarrier.arrive $0xFFFF  }
0x5c: {  	p0 =	sne.s32 s0, $0x0;
	_ =	strace $0x90000047  }
0x5d: {  	s0 =	sadd.s32 @!p0 $0x100000, s1;
	[bflag:$0x2] =	sbarrier.arrive $0xFFFF  }
0x5e: {  	[sflag:s0] =	ssyncadd.tile.s32 @!p0 $0x1;
	_ =	shalt  }
.Lfunc_end2:
_tile_overlayer_lowered:
.L_overlay_start_2:
0x5f: {  	(tag) =	ssettag $0x2  }
0x60: {  	s0 =	rddreg [dreg:$0x0];
	s2 =	stileid.u32  }
0x61: {  	s1 =	rddreg [dreg:$0x1];
	p0 =	sne.s32 s2, $0x0  }
0x62: {  	s3 =	rddreg [dreg:$0x2];
	[bflag:$0x3] =	sbarrier.arrive $0xFFFF;
	s2 =	simm.s32 @!p0 $0x1C01  }
0x63: {  	[timem:s3], [sflag:s2] =	dma.local @!p0 [hbm:s0], s1  }
0x64: {  	s0 =	simm.s32 @!p0 $0x1  }
0x65: {  	_ =	swait.ge @!p0 [sflag:s0], s1  }
0x66: {  	s1 =	ssub.s32 @!p0 $0x0, s1;
	[sflag:s0] =	ssyncset.done @!p0 $0x0  }
0x67: {  	[sflag:s0] =	ssyncadd.s32 @!p0 s1  }
0x68: {  	[bflag:$0x3] =	sbarrier.arrive $0xFFFF  }
0x69: {  	_ =	shalt  }

// kernel: kernel.14.cloned.1.call-start
scs
__scs_entry_jumppad:
0x0: {  	(pc) =	sbr.rel $0x88, $3  }
0x1: {  	(tag) =	ssettag $0x0;
	lr =	simm.s32 $0x1  }
0x2: {  	[smem:$0x3F94] =	sst lr;
	_ =	strace $0xD0000000  }
0x3: {  	_ = 	snop  }
0x4: {  	_ = 	snop  }
0x5: {  	_ = 	snop  }
0x6: {  	_ = 	snop  }
0x7: {  	_ = 	snop  }
__scs_overlays_trampoline_lowered:
0x8: {  	[smem:$0x3FA3] =	sst s0  }
0x9: {  	[smem:$0x3FA4] =	sst s1  }
0xa: {  	[smem:$0x3FA5] =	sst s2  }
0xb: {  	[smem:$0x3FA6] =	sst s3  }
0xc: {  	[smem:$0x3FA7] =	sst s4  }
0xd: {  	[smem:$0x3FA8] =	sst s5  }
0xe: {  	[smem:$0x3FA9] =	sst s6  }
0xf: {  	[smem:$0x3FAA] =	sst s7  }
0x10: {  	[smem:$0x3FAB] =	sst s8  }
0x11: {  	[smem:$0x3FAC] =	sst s9;
	s0 =	simm.s32 @!p0 $0x0  }
0x12: {  	s1 =	sld [smem:$0x3F92];
	s0 =	simm.s32 @p0 $0x1  }
0x13: {  	[smem:$0x3FAD] =	sst s0;
	s0 =	simm.s32 @!p1 $0x0  }
0x14: {  	s2 =	sld [smem:$0x3F91];
	s0 =	simm.s32 @p1 $0x1  }
0x15: {  	[smem:$0x3FAE] =	sst s0;
	s0 =	simm.s32 @!p2 $0x0  }
0x16: {  	s3 =	sld [smem:$0x3FDB];
	s0 =	simm.s32 @p2 $0x1  }
0x17: {  	s4 =	simm.s32 $0x1BF5;
	[smem:$0x3FB0] =	sst s0  }
0x18: {  	s0 =	sld [smem:$0x3F93];
	_ =	swait.ge [sflag:s4], $0x0  }
0x19: {  	s7 =	sld [smem:$0x3F94]  }
0x1a: {  	s8 =	sadd.s32 $0xFFFFE003, lr  }
0x1b: {  	s9 =	sadd.s32 $0xFFFFFEF7, lr;
	s5 =	simm.s32 $0xFFFFFFFF;
	p2 =	slt.u32 s8, $0xFFFFF086  }
0x1c: {  	p1 =	slt.u32 s9, $0xF7A;
	s5 =	simm.s32 @!p2 $0x0  }
0x1d: {  	s5 =	simm.s32 @p1 $0x1;
	p0 =	seq.s32 s7, s2  }
0x1e: {  	s7 =	smul.u32 @!p0 $0xF7A, s2;
	p2 =	seq.s32 @!p0 s5, $0x0  }
0x1f: {  	s9 =	smul.u32 $0xF7A, s1;
	s8 =	simm.s32 @!p0 $0x1BF5;
	p2 =	por !p2, p0  }
0x20: {  	[sflag:s8] =	ssyncset.s32 @!p0 $0xFFFFF086;
	s6 =	sadd.s32 @!p0 s3, s7;
	s7 =	simm.s32 @!p0 $0x108  }
0x21: {  	s3 =	sadd.s32 s3, s9;
	s6 =	sadd.s32 @!p0 $0x88, s6;
	s7 =	simm.s32 @p2 $0x1082  }
0x22: {  	[simem:s7], [sflag:s8] =	dma.local @!p0 [hbm:s6], $0xF7A  }
0x23: {  	s9 =	sor.u32 $0xD0000000, s2;
	s6 =	simm.s32 $0x108;
	_ =	swait.ge @!p0 [sflag:s8], $0x0  }
0x24: {  	s3 =	sadd.s32 $0x88, s3;
	s6 =	simm.s32 @!p1 $0x1082;
	[sflag:s4] =	ssyncset.s32 $0xFFFFF086  }
0x25: {  	[simem:s6], [sflag:s4] =	dma.local [hbm:s3], $0xF7A  }
0x26: {  	[smem:$0x3F94] =	sst s1;
	(tag) =	ssettag s2;
	_ =	strace s9  }
0x27: {  	s1 =	sld [smem:$0x3FA4]  }
0x28: {  	s2 =	sld [smem:$0x3FA5]  }
0x29: {  	s4 =	sld [smem:$0x3FA7]  }
0x2a: {  	p0 =	seq.s32 s5, $0x0;
	s5 =	sld [smem:$0x3FA8]  }
0x2b: {  	s6 =	sld [smem:$0x3FA9]  }
0x2c: {  	s7 =	sld [smem:$0x3FAA]  }
0x2d: {  	s3 =	simm.s32 $0x108;
	s8 =	sld [smem:$0x3FAB]  }
0x2e: {  	s3 =	simm.s32 @!p0 $0x1082;
	s9 =	sld [smem:$0x3FAC]  }
0x2f: {  	lr =	sadd.s32 s0, s3;
	s0 =	sld [smem:$0x3FA3]  }
0x30: {  	s3 =	sld [smem:$0x3FA6]  }
0x31: {  	[smem:$0x3FAF] =	sst s10  }
0x32: {  	s10 =	sld [smem:$0x3FAD];
	_ =	sdelay $0x3  }
0x33: {  	p0 =	seq.s32 s10, $0x1;
	s10 =	sld [smem:$0x3FAF];
	_ =	sdelay $0x3  }
0x34: {  	[smem:$0x3FAF] =	sst s10  }
0x35: {  	s10 =	sld [smem:$0x3FAE];
	_ =	sdelay $0x3  }
0x36: {  	p1 =	seq.s32 s10, $0x1;
	s10 =	sld [smem:$0x3FAF];
	_ =	sdelay $0x3  }
0x37: {  	[smem:$0x3FAF] =	sst s10  }
0x38: {  	s10 =	sld [smem:$0x3FB0]  }
0x39: {  	_ = 	snop;
	(pc) =	sbr.ind lr, $3  }
0x3a: {  	_ = 	snop  }
0x3b: {  	_ = 	snop  }
0x3c: {  	p2 =	seq.s32 s10, $0x1;
	s10 =	sld [smem:$0x3FAF]  }
0x3d: {  	_ =	shalt  }
0x3e: {  	_ =	shalt  }
0x3f: {  	_ =	shalt  }
0x40: {  	_ =	shalt  }
0x41: {  	_ =	shalt  }
0x42: {  	_ =	shalt  }
0x43: {  	_ =	shalt  }
0x44: {  	_ =	shalt  }
0x45: {  	_ =	shalt  }
0x46: {  	_ =	shalt  }
0x47: {  	_ =	shalt  }
0x48: {  	_ =	shalt  }
0x49: {  	_ =	shalt  }
0x4a: {  	_ =	shalt  }
0x4b: {  	_ =	shalt  }
0x4c: {  	_ =	shalt  }
0x4d: {  	_ =	shalt  }
0x4e: {  	_ =	shalt  }
0x4f: {  	_ =	shalt  }
0x50: {  	_ =	shalt  }
0x51: {  	_ =	shalt  }
0x52: {  	_ =	shalt  }
0x53: {  	_ =	shalt  }
0x54: {  	_ =	shalt  }
0x55: {  	_ =	shalt  }
0x56: {  	_ =	shalt  }
0x57: {  	_ =	shalt  }
0x58: {  	_ =	shalt  }
0x59: {  	_ =	shalt  }
0x5a: {  	_ =	shalt  }
0x5b: {  	_ =	shalt  }
0x5c: {  	_ =	shalt  }
0x5d: {  	_ =	shalt  }
0x5e: {  	_ =	shalt  }
0x5f: {  	_ =	shalt  }
0x60: {  	_ =	shalt  }
0x61: {  	_ =	shalt  }
0x62: {  	_ =	shalt  }
0x63: {  	_ =	shalt  }
0x64: {  	_ =	shalt  }
0x65: {  	_ =	shalt  }
0x66: {  	_ =	shalt  }
0x67: {  	_ =	shalt  }
0x68: {  	_ =	shalt  }
0x69: {  	_ =	shalt  }
0x6a: {  	_ =	shalt  }
0x6b: {  	_ =	shalt  }
0x6c: {  	_ =	shalt  }
0x6d: {  	_ =	shalt  }
0x6e: {  	_ =	shalt  }
0x6f: {  	_ =	shalt  }
0x70: {  	_ =	shalt  }
0x71: {  	_ =	shalt  }
0x72: {  	_ =	shalt  }
0x73: {  	_ =	shalt  }
0x74: {  	_ =	shalt  }
0x75: {  	_ =	shalt  }
0x76: {  	_ =	shalt  }
0x77: {  	_ =	shalt  }
0x78: {  	_ =	shalt  }
0x79: {  	_ =	shalt  }
0x7a: {  	_ =	shalt  }
0x7b: {  	_ =	shalt  }
0x7c: {  	_ =	shalt  }
0x7d: {  	_ =	shalt  }
0x7e: {  	_ =	shalt  }
0x7f: {  	_ =	shalt  }
0x80: {  	_ =	shalt  }
0x81: {  	_ =	shalt  }
0x82: {  	_ =	shalt  }
0x83: {  	_ =	shalt  }
0x84: {  	_ =	shalt  }
0x85: {  	_ =	shalt  }
0x86: {  	_ =	shalt  }
0x87: {  	_ =	shalt  }
.Lfunc_end0:
.L_simem_size_0:
called_computation.1_lowered:
.L_overlay_start_0:
0x88: {  	s2 =	sld [smem:$0x3FD9]  }
0x89: {  	s3 =	sld [smem:$0x3FFE];
	_ =	sdelay $0x1  }
0x8a: {  	s1 =	srdreg.scid  }
0x8b: {  	s0 =	sand.u32 $0x1, s1  }
0x8c: {  	s16 =	sshll.u32 s0, $0xA;
	s2 =	sadd.s32 s3, s2  }
0x8d: {  	s2 =	sadd.s32 s2, s16  }
0x8e: {  	[smem:$0x3FBB] =	sst s2  }
0x8f: {  	_ = 	snop  }
0x90: {  	(tm) =	ssettm $0x1  }
0x91: {  	s17 =	sld [smem:$0x3FFB];
	_ =	sdelay $0x3  }
0x92: {  	_ =	strace s17  }
0x93: {  	s2 =	sld [smem:$0x3FFC];
	_ =	sdelay $0x3  }
0x94: {  	_ =	strace s2  }
0x95: {  	s2 =	sld [smem:$0x3FFD];
	_ =	sdelay $0x3  }
0x96: {  	_ =	strace s2  }
0x97: {  	_ =	strace $0x8FFFFFFF  }
0x98: {  	s18 =	sld [smem:$0x3FDB];
	_ =	sdelay $0x1  }
0x99: {  	s19 =	simm.s32 $_scs_section_size  }
0x9a: {  	s4 =	simm.s32 $_size__tile_overlayer_lowered;
	s5 =	simm.s32 $_tile_overlayer_lowered  }
0x9b: {  	s22 =	simm.s32 $0x1BFF;
	s21 =	sshll.u32 s5, $0x1;
	s2 =	sadd.s32 s19, s18  }
0x9c: {  	s6 =	simm.s32 $0x0;
	s20 =	sshll.u32 s4, $0x1;
	s4 =	sadd.s32 s21, s2  }
0x9d: {  	[timem:s6], [sflag:s22] =	dma.local [hbm:s4], s20  }
0x9e: {  	_ =	swait.ge [sflag:s22], s20  }
0x9f: {  	s3 =	ssub.s32 $0x0, s20;
	[sflag:s22] =	ssyncset.done $0x0  }
0xa0: {  	[sflag:s22] =	ssyncadd.s32 s3;
	_ =	sdelay $0x1  }
0xa1: {  	s23 =	simm.s32 $0x1B8B  }
0xa2: {  	_ =	swait.ge [sflag:s23], $0x1  }
0xa3: {  	[sflag:s23] =	ssyncset.done $0x0  }
0xa4: {  	s25 =	simm.s32 $0x1B8E;
	s24 =	sld [smem:$0x3FFE];
	[sflag:s23] =	ssyncadd.s32 $0xFFFFFFFF  }
0xa5: {  	s26 =	simm.s32 $execute0_lowered;
	[smem:$0x3FD2] =	sst s25  }
0xa6: {  	s4 =	sshll.u32 s26, $0x1;
	_ =	strace $0x80000049;
	[dreg:$0x1] =	wrdreg $0xFFFFFFFF  }
0xa7: {  	s28 =	simm.s32 $_size_execute0_lowered;
	s2 =	sadd.s32 s2, s4;
	[dreg:$0x0] =	wrdreg $0x0  }
0xa8: {  	s4 =	sshll.u32 s28, $0x1;
	[dreg:$0x2] =	wrdreg s2  }
0xa9: {  	[dreg:$0x3] =	wrdreg s4  }
0xaa: {  	[dreg:$0x4] =	wrdreg $0xC0  }
0xab: {  	_ =	task [dreg:s6], $0x5FFFF  }
0xac: {  	[dreg:$0x1] =	wrdreg $0xFFFFFFFF  }
0xad: {  	[dreg:$0x0] =	wrdreg $0x60  }
0xae: {  	[dreg:$0x2] =	wrdreg s24  }
0xaf: {  	[dreg:$0x3] =	wrdreg $0xCC400  }
0xb0: {  	[dreg:$0x4] =	wrdreg $0x12FE00  }
0xb1: {  	[dreg:$0x5] =	wrdreg $0x9  }
0xb2: {  	_ =	task.clear_ibuf [dreg:s6], $0x6FFFF;
	_ =	strace $0x90000049  }
0xb3: {  	s29 =	simm.s32 $0x9;
	_ =	strace $0x8000004B  }
0xb4: {  	_ =	swait.ge [sflag:s29], $0x1  }
0xb5: {  	[sflag:s29] =	ssyncadd.s32 $0xFFFFFFFF  }
0xb6: {  	_ =	strace $0x9000004B  }
0xb7: {  	_ =	sfence  }
0xb8: {  	s30 =	sld [smem:$0x0];
	_ =	sdelay $0x2  }
0xb9: {  	s31 =	sshll.u32 s1, $0xD;
	s1 =	sshrl.u32 s1, $0x2  }
0xba: {  	s3 =	sand.u32 $0x4000, s31;
	s1 =	sadd.s32 s1, s30  }
0xbb: {  	s0 =	sor.u32 s3, s0;
	s1 =	sshll.u32 s1, $0x11  }
0xbc: {  	s0 =	sor.u32 s1, s0  }
0xbd: {  	s0 =	sadd.s32 $0x8F2B, s0  }
0xbe: {  	[sflag:s0] =	ssyncadd.remote.s32 $0x1  }
0xbf: {  	_ =	sfence.sel $0xFFFF  }
0xc0: {  	[dreg:$0x0] =	wrdreg $0xFFFFFFFF;
	(pc) =	sbr.abs _section_cstart, $3  }
0xc1: {  	[dreg:$0x1] =	wrdreg $0xFFFFFFFF  }
0xc2: {  	_ =	task.clear_ibuf [dreg:s6], $0x2FFFF;
	_ =	strace $0x9FFFFFFF  }
0xc3: {  	(tm) =	ssettm $0x7FFFFFFF  }
tec
execute0_lowered:
.L_overlay_start_1:
0x0: {  	(tag) =	ssettag $0x1  }
0x1: {  	s5 =	rddreg [dreg:$0x0]  }
0x2: {  	s1 =	srdreg.scid;
	s2 =	rddreg [dreg:$0x1]  }
0x3: {  	s0 =	stileid.u32;
	s3 =	rddreg [dreg:$0x2]  }
0x4: {  	s4 =	simm.s32 $0x0;
	s13 =	simm.s32 $0x500;
	s14 =	simm.s32 $0x1  }
0x5: {  	s15 =	simm.s32 $0x80;
	s16 =	simm.s32 $0x100;
	s7 =	smul.u32 $0x19000, s0  }
0x6: {  	s6 =	sand.u32 $0x1, s1;
	s1 =	rddreg [dreg:$0x3];
	s30 =	smul.u32 $0xC740, s0  }
0x7: {  	s17 =	simm.s32 $0x0;
	[smem:$0x7FF] =	sst s4;
	s8 =	smul.u32 $0xC800, s6  }
0x8: {  	s9 =	smul.u32 $0xC7400, s6;
	_ =	strace $0x8000004A;
	s6 =	ssub.s32 $0x2, s6  }
0x9: {  	s31 =	sshrl.u32 s30, $0x3;
	s10 =	sshrl.u32 s6, $0x1;
	s7 =	sadd.s32 s8, s7  }
0xa: {  	s9 =	sadd.s32 s30, s9;
	s10 =	ssub.s32 s6, s10;
	s6 =	sadd.s32 s30, s2  }
0xb: {  	s8 =	sadd.s32 s30, s3;
	s7 =	sshrl.u32 s7, $0x3;
	s9 =	sshrl.u32 s9, $0x3  }
0xc: {  	s10 =	smax.u32 s10, $0x1;
	s12 =	sadd.s32 s7, s5;
	s7 =	sadd.s32 s31, s5  }
0xd: {  	s9 =	sadd.s32 s9, s5;
	s5 =	sadd.s32 $0x66800, s7;
	s7 =	sadd.s32 $0x191000, s7  }
0xe: {  	s9 =	sadd.s32 $0x7F800, s9;
	s11 =	sadd.s32 $0x34800, s12;
	s12 =	sadd.s32 $0x2800, s12  }
.LBB2_1:
0xf: {  	[tilespmem:s13], [sflag:$0x1] =	stream.linear.gather [hbm4b:s5+s4], $0xC740, $0x38;
	[tilespmem:$0x19380] =	vst v63  }
0x10: {  	_ =	swait.ge [sflag:s14], $0xC740  }
0x11: {  	[sflag:s14] =	ssyncset.done $0x0  }
0x12: {  	[sflag:s14] =	ssyncadd.s32 $0xFFFF38C0  }
0x13: {  	[spmem:s6] =	stream.linear.scatter [tilespmem:s13], [sflag:$0x1], $0xC740, $0x38;
	[tilespmem:$0x19380] =	vst v63  }
0x14: {  	_ =	swait.ge [sflag:s14], $0xC740  }
0x15: {  	[sflag:s14] =	ssyncset.done $0x0  }
0x16: {  	[sflag:s14] =	ssyncadd.s32 $0xFFFF38C0  }
0x17: {  	[tilespmem:s13], [sflag:$0x1] =	stream.linear.gather [hbm4b:s7+s4], $0xC740, $0x38;
	[tilespmem:$0x19380] =	vst v63  }
0x18: {  	_ =	swait.ge [sflag:s14], $0xC740  }
0x19: {  	[sflag:s14] =	ssyncset.done $0x0  }
0x1a: {  	[sflag:s14] =	ssyncadd.s32 $0xFFFF38C0  }
0x1b: {  	[spmem:s8] =	stream.linear.scatter [tilespmem:s13], [sflag:$0x1], $0xC740, $0x38;
	[tilespmem:$0x19380] =	vst v63  }
0x1c: {  	_ =	swait.ge [sflag:s14], $0xC740  }
0x1d: {  	[sflag:s14] =	ssyncset.done $0x0  }
0x1e: {  	[sflag:s14] =	ssyncadd.s32 $0xFFFF38C0  }
0x1f: {  	s18 =	sadd.s32 $0x0, s12;
	[bflag:$0x0] =	sbarrier.arrive $0xFFFF  }
0x20: {  	[tilespmem:s4], [sflag:$0x1] =	stream.linear.gather [hbm4b:s18+s4], $0x80, $0x38;
	[tilespmem:$0x19380] =	vst v63  }
0x21: {  	_ =	swait.ge [sflag:s14], $0x80  }
0x22: {  	[sflag:s14] =	ssyncset.done $0x0  }
0x23: {  	s31 =	sadd.s32 $0x0, s11;
	[sflag:s14] =	ssyncadd.s32 $0xFFFFFF80  }
0x24: {  	[tilespmem:s15], [sflag:$0x1] =	stream.linear.gather [hbm4b:s31+s4], $0x80, $0x38;
	[tilespmem:$0x19380] =	vst v63  }
0x25: {  	_ =	swait.ge [sflag:s14], $0x80  }
0x26: {  	[sflag:s14] =	ssyncset.done $0x0  }
0x27: {  	[sflag:s14] =	ssyncadd.s32 $0xFFFFFF80  }
0x28: {  	[tilespmem:s16], [sflag:$0x1] =	stream.indirect.gather [spmem:s2], $0x4, s4, s15, $0xb8;
	[tilespmem:$0x19380] =	vst v63  }
0x29: {  	_ =	swait.ge [sflag:s14], $0x200  }
0x2a: {  	[sflag:s14] =	ssyncset.done $0x0  }
0x2b: {  	[sflag:s14] =	ssyncadd.s32 $0xFFFFFE00  }
0x2c: {  	[spmem:s3] =	stream.indirect.scatter.add.f32 [tilespmem:s16], [sflag:$0x1], $0x4, s15, s15, $0xb8;
	[tilespmem:$0x19380] =	vst v63  }
0x2d: {  	_ =	swait.ge [sflag:s14], $0x200  }
0x2e: {  	s19 =	simm.s32 $0x20;
	s18 =	simm.s32 $0x10;
	[sflag:s14] =	ssyncset.done $0x0  }
.LBB2_2:
0x2f: {  	s20 =	sadd.s32 s18, s12  }
0x30: {  	[sflag:s14] =	ssyncadd.s32 $0xFFFFFE00;
	s21 =	smov.u32 s19;
	s22 =	sadd.s32 $0x10, s19  }
0x31: {  	[tilespmem:s4], [sflag:$0x1] =	stream.linear.gather [hbm4b:s20+s4], $0x80, $0x38;
	[tilespmem:$0x19380] =	vst v63  }
0x32: {  	p0 =	sne.s32 s19, $0x18F0;
	_ =	swait.ge [sflag:s14], $0x80  }
0x33: {  	[sflag:s14] =	ssyncset.done $0x0  }
0x34: {  	s19 =	sadd.s32 s18, s11;
	s18 =	smov.u32 s21;
	[sflag:s14] =	ssyncadd.s32 $0xFFFFFF80  }
0x35: {  	[tilespmem:s15], [sflag:$0x1] =	stream.linear.gather [hbm4b:s19+s4], $0x80, $0x38;
	[tilespmem:$0x19380] =	vst v63  }
0x36: {  	_ =	swait.ge [sflag:s14], $0x80  }
0x37: {  	[sflag:s14] =	ssyncset.done $0x0  }
0x38: {  	[sflag:s14] =	ssyncadd.s32 $0xFFFFFF80  }
0x39: {  	[tilespmem:s16], [sflag:$0x1] =	stream.indirect.gather [spmem:s2], $0x4, s4, s15, $0xb8;
	[tilespmem:$0x19380] =	vst v63  }
0x3a: {  	_ =	swait.ge [sflag:s14], $0x200  }
.Ltmp0:
0x3b: {  	[sflag:s14] =	ssyncset.done $0x0;
	(pc) =	sbr.rel @p0 .LBB2_2-.Ltmp0, $4  }
0x3c: {  	[sflag:s14] =	ssyncadd.s32 $0xFFFFFE00  }
0x3d: {  	[spmem:s3] =	stream.indirect.scatter.add.f32 [tilespmem:s16], [sflag:$0x1], $0x4, s15, s15, $0xb8;
	[tilespmem:$0x19380] =	vst v63  }
0x3e: {  	_ =	swait.ge [sflag:s14], $0x200  }
0x3f: {  	s19 =	smov.u32 s22;
	[sflag:s14] =	ssyncset.done $0x0  }
0x40: {  	s19 =	sadd.s32 s18, s12;
	[sflag:s14] =	ssyncadd.s32 $0xFFFFFE00  }
0x41: {  	[tilespmem:s4], [sflag:$0x1] =	stream.linear.gather [hbm4b:s19+s4], $0x80, $0x38;
	[tilespmem:$0x19380] =	vst v63  }
0x42: {  	_ =	swait.ge [sflag:s14], $0x80  }
0x43: {  	[sflag:s14] =	ssyncset.done $0x0  }
0x44: {  	s31 =	sadd.s32 s18, s11;
	[sflag:s14] =	ssyncadd.s32 $0xFFFFFF80  }
0x45: {  	[tilespmem:s15], [sflag:$0x1] =	stream.linear.gather [hbm4b:s31+s4], $0x80, $0x38;
	[tilespmem:$0x19380] =	vst v63  }
0x46: {  	_ =	swait.ge [sflag:s14], $0x80  }
0x47: {  	[sflag:s14] =	ssyncset.done $0x0  }
0x48: {  	[sflag:s14] =	ssyncadd.s32 $0xFFFFFF80  }
0x49: {  	[tilespmem:s16], [sflag:$0x1] =	stream.indirect.gather [spmem:s2], $0x4, s4, s15, $0xb8;
	[tilespmem:$0x19380] =	vst v63  }
0x4a: {  	_ =	swait.ge [sflag:s14], $0x200  }
0x4b: {  	[sflag:s14] =	ssyncset.done $0x0  }
0x4c: {  	[sflag:s14] =	ssyncadd.s32 $0xFFFFFE00  }
0x4d: {  	[spmem:s3] =	stream.indirect.scatter.add.f32 [tilespmem:s16], [sflag:$0x1], $0x4, s15, s15, $0xb8;
	[tilespmem:$0x19380] =	vst v63  }
0x4e: {  	_ =	swait.ge [sflag:s14], $0x200  }
0x4f: {  	[sflag:s14] =	ssyncset.done $0x0  }
0x50: {  	[sflag:s14] =	ssyncadd.s32 $0xFFFFFE00  }
0x51: {  	[bflag:$0x0] =	sbarrier.arrive $0xFFFF  }
0x52: {  	[tilespmem:s13], [sflag:$0x1] =	stream.linear.gather [spmem:s8], $0xC740, $0x38;
	[tilespmem:$0x19380] =	vst v63  }
0x53: {  	s17 =	sadd.s32 $0x1, s17;
	_ =	swait.ge [sflag:s14], $0xC740  }
0x54: {  	p0 =	sne.s32 s17, s10;
	[sflag:s14] =	ssyncset.done $0x0  }
.Ltmp1:
0x55: {  	[sflag:s14] =	ssyncadd.s32 $0xFFFF38C0;
	(pc) =	sbr.rel @p0 .LBB2_1-.Ltmp1, $4  }
0x56: {  	[hbm4b:s9+s4] =	stream.linear.scatter [tilespmem:s13], [sflag:$0x1], $0xC740, $0x38;
	[tilespmem:$0x19380] =	vst v63  }
0x57: {  	_ =	swait.ge [sflag:s14], $0xC740  }
0x58: {  	[sflag:s14] =	ssyncset.done $0x0  }
0x59: {  	[sflag:s14] =	ssyncadd.s32 $0xFFFF38C0  }
0x5a: {  	_ =	sfence.sel $0x180000  }
0x5b: {  	[bflag:$0x0] =	sbarrier.arrive $0xFFFF  }
0x5c: {  	p0 =	sne.s32 s0, $0x0;
	_ =	strace $0x9000004A  }
0x5d: {  	s0 =	sadd.s32 @!p0 $0x100000, s1;
	[bflag:$0x2] =	sbarrier.arrive $0xFFFF  }
0x5e: {  	[sflag:s0] =	ssyncadd.tile.s32 @!p0 $0x1;
	_ =	shalt  }
.Lfunc_end2:
_tile_overlayer_lowered:
.L_overlay_start_2:
0x5f: {  	(tag) =	ssettag $0x2  }
0x60: {  	s0 =	rddreg [dreg:$0x0];
	s2 =	stileid.u32  }
0x61: {  	s1 =	rddreg [dreg:$0x1];
	p0 =	sne.s32 s2, $0x0  }
0x62: {  	s3 =	rddreg [dreg:$0x2];
	[bflag:$0x3] =	sbarrier.arrive $0xFFFF;
	s2 =	simm.s32 @!p0 $0x1C01  }
0x63: {  	[timem:s3], [sflag:s2] =	dma.local @!p0 [hbm:s0], s1  }
0x64: {  	s0 =	simm.s32 @!p0 $0x1  }
0x65: {  	_ =	swait.ge @!p0 [sflag:s0], s1  }
0x66: {  	s1 =	ssub.s32 @!p0 $0x0, s1;
	[sflag:s0] =	ssyncset.done @!p0 $0x0  }
0x67: {  	[sflag:s0] =	ssyncadd.s32 @!p0 s1  }
0x68: {  	[bflag:$0x3] =	sbarrier.arrive $0xFFFF  }
0x69: {  	_ =	shalt  }

// kernel: kernel.17.cloned.1.call-start
scs
__scs_entry_jumppad:
0x0: {  	(pc) =	sbr.rel $0x88, $3  }
0x1: {  	(tag) =	ssettag $0x0;
	lr =	simm.s32 $0x1  }
0x2: {  	[smem:$0x3F94] =	sst lr;
	_ =	strace $0xD0000000  }
0x3: {  	_ = 	snop  }
0x4: {  	_ = 	snop  }
0x5: {  	_ = 	snop  }
0x6: {  	_ = 	snop  }
0x7: {  	_ = 	snop  }
__scs_overlays_trampoline_lowered:
0x8: {  	[smem:$0x3FA3] =	sst s0  }
0x9: {  	[smem:$0x3FA4] =	sst s1  }
0xa: {  	[smem:$0x3FA5] =	sst s2  }
0xb: {  	[smem:$0x3FA6] =	sst s3  }
0xc: {  	[smem:$0x3FA7] =	sst s4  }
0xd: {  	[smem:$0x3FA8] =	sst s5  }
0xe: {  	[smem:$0x3FA9] =	sst s6  }
0xf: {  	[smem:$0x3FAA] =	sst s7  }
0x10: {  	[smem:$0x3FAB] =	sst s8  }
0x11: {  	[smem:$0x3FAC] =	sst s9;
	s0 =	simm.s32 @!p0 $0x0  }
0x12: {  	s1 =	sld [smem:$0x3F92];
	s0 =	simm.s32 @p0 $0x1  }
0x13: {  	[smem:$0x3FAD] =	sst s0;
	s0 =	simm.s32 @!p1 $0x0  }
0x14: {  	s2 =	sld [smem:$0x3F91];
	s0 =	simm.s32 @p1 $0x1  }
0x15: {  	[smem:$0x3FAE] =	sst s0;
	s0 =	simm.s32 @!p2 $0x0  }
0x16: {  	s3 =	sld [smem:$0x3FDB];
	s0 =	simm.s32 @p2 $0x1  }
0x17: {  	s4 =	simm.s32 $0x1BF5;
	[smem:$0x3FB0] =	sst s0  }
0x18: {  	s0 =	sld [smem:$0x3F93];
	_ =	swait.ge [sflag:s4], $0x0  }
0x19: {  	s7 =	sld [smem:$0x3F94]  }
0x1a: {  	s8 =	sadd.s32 $0xFFFFE003, lr  }
0x1b: {  	s9 =	sadd.s32 $0xFFFFFEF7, lr;
	s5 =	simm.s32 $0xFFFFFFFF;
	p2 =	slt.u32 s8, $0xFFFFF086  }
0x1c: {  	p1 =	slt.u32 s9, $0xF7A;
	s5 =	simm.s32 @!p2 $0x0  }
0x1d: {  	s5 =	simm.s32 @p1 $0x1;
	p0 =	seq.s32 s7, s2  }
0x1e: {  	s7 =	smul.u32 @!p0 $0xF7A, s2;
	p2 =	seq.s32 @!p0 s5, $0x0  }
0x1f: {  	s9 =	smul.u32 $0xF7A, s1;
	s8 =	simm.s32 @!p0 $0x1BF5;
	p2 =	por !p2, p0  }
0x20: {  	[sflag:s8] =	ssyncset.s32 @!p0 $0xFFFFF086;
	s6 =	sadd.s32 @!p0 s3, s7;
	s7 =	simm.s32 @!p0 $0x108  }
0x21: {  	s3 =	sadd.s32 s3, s9;
	s6 =	sadd.s32 @!p0 $0x88, s6;
	s7 =	simm.s32 @p2 $0x1082  }
0x22: {  	[simem:s7], [sflag:s8] =	dma.local @!p0 [hbm:s6], $0xF7A  }
0x23: {  	s9 =	sor.u32 $0xD0000000, s2;
	s6 =	simm.s32 $0x108;
	_ =	swait.ge @!p0 [sflag:s8], $0x0  }
0x24: {  	s3 =	sadd.s32 $0x88, s3;
	s6 =	simm.s32 @!p1 $0x1082;
	[sflag:s4] =	ssyncset.s32 $0xFFFFF086  }
0x25: {  	[simem:s6], [sflag:s4] =	dma.local [hbm:s3], $0xF7A  }
0x26: {  	[smem:$0x3F94] =	sst s1;
	(tag) =	ssettag s2;
	_ =	strace s9  }
0x27: {  	s1 =	sld [smem:$0x3FA4]  }
0x28: {  	s2 =	sld [smem:$0x3FA5]  }
0x29: {  	s4 =	sld [smem:$0x3FA7]  }
0x2a: {  	p0 =	seq.s32 s5, $0x0;
	s5 =	sld [smem:$0x3FA8]  }
0x2b: {  	s6 =	sld [smem:$0x3FA9]  }
0x2c: {  	s7 =	sld [smem:$0x3FAA]  }
0x2d: {  	s3 =	simm.s32 $0x108;
	s8 =	sld [smem:$0x3FAB]  }
0x2e: {  	s3 =	simm.s32 @!p0 $0x1082;
	s9 =	sld [smem:$0x3FAC]  }
0x2f: {  	lr =	sadd.s32 s0, s3;
	s0 =	sld [smem:$0x3FA3]  }
0x30: {  	s3 =	sld [smem:$0x3FA6]  }
0x31: {  	[smem:$0x3FAF] =	sst s10  }
0x32: {  	s10 =	sld [smem:$0x3FAD];
	_ =	sdelay $0x3  }
0x33: {  	p0 =	seq.s32 s10, $0x1;
	s10 =	sld [smem:$0x3FAF];
	_ =	sdelay $0x3  }
0x34: {  	[smem:$0x3FAF] =	sst s10  }
0x35: {  	s10 =	sld [smem:$0x3FAE];
	_ =	sdelay $0x3  }
0x36: {  	p1 =	seq.s32 s10, $0x1;
	s10 =	sld [smem:$0x3FAF];
	_ =	sdelay $0x3  }
0x37: {  	[smem:$0x3FAF] =	sst s10  }
0x38: {  	s10 =	sld [smem:$0x3FB0]  }
0x39: {  	_ = 	snop;
	(pc) =	sbr.ind lr, $3  }
0x3a: {  	_ = 	snop  }
0x3b: {  	_ = 	snop  }
0x3c: {  	p2 =	seq.s32 s10, $0x1;
	s10 =	sld [smem:$0x3FAF]  }
0x3d: {  	_ =	shalt  }
0x3e: {  	_ =	shalt  }
0x3f: {  	_ =	shalt  }
0x40: {  	_ =	shalt  }
0x41: {  	_ =	shalt  }
0x42: {  	_ =	shalt  }
0x43: {  	_ =	shalt  }
0x44: {  	_ =	shalt  }
0x45: {  	_ =	shalt  }
0x46: {  	_ =	shalt  }
0x47: {  	_ =	shalt  }
0x48: {  	_ =	shalt  }
0x49: {  	_ =	shalt  }
0x4a: {  	_ =	shalt  }
0x4b: {  	_ =	shalt  }
0x4c: {  	_ =	shalt  }
0x4d: {  	_ =	shalt  }
0x4e: {  	_ =	shalt  }
0x4f: {  	_ =	shalt  }
0x50: {  	_ =	shalt  }
0x51: {  	_ =	shalt  }
0x52: {  	_ =	shalt  }
0x53: {  	_ =	shalt  }
0x54: {  	_ =	shalt  }
0x55: {  	_ =	shalt  }
0x56: {  	_ =	shalt  }
0x57: {  	_ =	shalt  }
0x58: {  	_ =	shalt  }
0x59: {  	_ =	shalt  }
0x5a: {  	_ =	shalt  }
0x5b: {  	_ =	shalt  }
0x5c: {  	_ =	shalt  }
0x5d: {  	_ =	shalt  }
0x5e: {  	_ =	shalt  }
0x5f: {  	_ =	shalt  }
0x60: {  	_ =	shalt  }
0x61: {  	_ =	shalt  }
0x62: {  	_ =	shalt  }
0x63: {  	_ =	shalt  }
0x64: {  	_ =	shalt  }
0x65: {  	_ =	shalt  }
0x66: {  	_ =	shalt  }
0x67: {  	_ =	shalt  }
0x68: {  	_ =	shalt  }
0x69: {  	_ =	shalt  }
0x6a: {  	_ =	shalt  }
0x6b: {  	_ =	shalt  }
0x6c: {  	_ =	shalt  }
0x6d: {  	_ =	shalt  }
0x6e: {  	_ =	shalt  }
0x6f: {  	_ =	shalt  }
0x70: {  	_ =	shalt  }
0x71: {  	_ =	shalt  }
0x72: {  	_ =	shalt  }
0x73: {  	_ =	shalt  }
0x74: {  	_ =	shalt  }
0x75: {  	_ =	shalt  }
0x76: {  	_ =	shalt  }
0x77: {  	_ =	shalt  }
0x78: {  	_ =	shalt  }
0x79: {  	_ =	shalt  }
0x7a: {  	_ =	shalt  }
0x7b: {  	_ =	shalt  }
0x7c: {  	_ =	shalt  }
0x7d: {  	_ =	shalt  }
0x7e: {  	_ =	shalt  }
0x7f: {  	_ =	shalt  }
0x80: {  	_ =	shalt  }
0x81: {  	_ =	shalt  }
0x82: {  	_ =	shalt  }
0x83: {  	_ =	shalt  }
0x84: {  	_ =	shalt  }
0x85: {  	_ =	shalt  }
0x86: {  	_ =	shalt  }
0x87: {  	_ =	shalt  }
.Lfunc_end0:
.L_simem_size_0:
called_computation.2_lowered:
.L_overlay_start_0:
0x88: {  	s2 =	sld [smem:$0x3FD9]  }
0x89: {  	s3 =	sld [smem:$0x3FFE];
	_ =	sdelay $0x1  }
0x8a: {  	s1 =	srdreg.scid  }
0x8b: {  	s0 =	sand.u32 $0x1, s1  }
0x8c: {  	s16 =	sshll.u32 s0, $0xA;
	s2 =	sadd.s32 s3, s2  }
0x8d: {  	s2 =	sadd.s32 s2, s16  }
0x8e: {  	[smem:$0x3FBB] =	sst s2  }
0x8f: {  	_ = 	snop  }
0x90: {  	(tm) =	ssettm $0x1  }
0x91: {  	s17 =	sld [smem:$0x3FFB];
	_ =	sdelay $0x3  }
0x92: {  	_ =	strace s17  }
0x93: {  	s2 =	sld [smem:$0x3FFC];
	_ =	sdelay $0x3  }
0x94: {  	_ =	strace s2  }
0x95: {  	s2 =	sld [smem:$0x3FFD];
	_ =	sdelay $0x3  }
0x96: {  	_ =	strace s2  }
0x97: {  	_ =	strace $0x8FFFFFFF  }
0x98: {  	s18 =	sld [smem:$0x3FDB];
	_ =	sdelay $0x1  }
0x99: {  	s19 =	simm.s32 $_scs_section_size  }
0x9a: {  	s4 =	simm.s32 $_size__tile_overlayer_lowered;
	s5 =	simm.s32 $_tile_overlayer_lowered  }
0x9b: {  	s22 =	simm.s32 $0x1BFF;
	s21 =	sshll.u32 s5, $0x1;
	s2 =	sadd.s32 s19, s18  }
0x9c: {  	s6 =	simm.s32 $0x0;
	s20 =	sshll.u32 s4, $0x1;
	s4 =	sadd.s32 s21, s2  }
0x9d: {  	[timem:s6], [sflag:s22] =	dma.local [hbm:s4], s20  }
0x9e: {  	_ =	swait.ge [sflag:s22], s20  }
0x9f: {  	s3 =	ssub.s32 $0x0, s20;
	[sflag:s22] =	ssyncset.done $0x0  }
0xa0: {  	[sflag:s22] =	ssyncadd.s32 s3;
	_ =	sdelay $0x1  }
0xa1: {  	s23 =	simm.s32 $0x1B8B  }
0xa2: {  	_ =	swait.ge [sflag:s23], $0x1  }
0xa3: {  	[sflag:s23] =	ssyncset.done $0x0  }
0xa4: {  	s25 =	simm.s32 $0x1B8E;
	s24 =	sld [smem:$0x3FFE];
	[sflag:s23] =	ssyncadd.s32 $0xFFFFFFFF  }
0xa5: {  	s26 =	simm.s32 $execute0_lowered;
	[smem:$0x3FD2] =	sst s25  }
0xa6: {  	s4 =	sshll.u32 s26, $0x1;
	_ =	strace $0x8000004C;
	[dreg:$0x1] =	wrdreg $0xFFFFFFFF  }
0xa7: {  	s28 =	simm.s32 $_size_execute0_lowered;
	s2 =	sadd.s32 s2, s4;
	[dreg:$0x0] =	wrdreg $0x0  }
0xa8: {  	s4 =	sshll.u32 s28, $0x1;
	[dreg:$0x2] =	wrdreg s2  }
0xa9: {  	[dreg:$0x3] =	wrdreg s4  }
0xaa: {  	[dreg:$0x4] =	wrdreg $0xC0  }
0xab: {  	_ =	task [dreg:s6], $0x5FFFF  }
0xac: {  	[dreg:$0x1] =	wrdreg $0xFFFFFFFF  }
0xad: {  	[dreg:$0x0] =	wrdreg $0x60  }
0xae: {  	[dreg:$0x2] =	wrdreg s24  }
0xaf: {  	[dreg:$0x3] =	wrdreg $0xCC400  }
0xb0: {  	[dreg:$0x4] =	wrdreg $0x12FE00  }
0xb1: {  	[dreg:$0x5] =	wrdreg $0x9  }
0xb2: {  	_ =	task.clear_ibuf [dreg:s6], $0x6FFFF;
	_ =	strace $0x9000004C  }
0xb3: {  	s29 =	simm.s32 $0x9;
	_ =	strace $0x8000004E  }
0xb4: {  	_ =	swait.ge [sflag:s29], $0x1  }
0xb5: {  	[sflag:s29] =	ssyncadd.s32 $0xFFFFFFFF  }
0xb6: {  	_ =	strace $0x9000004E  }
0xb7: {  	_ =	sfence  }
0xb8: {  	s30 =	sld [smem:$0x0];
	_ =	sdelay $0x2  }
0xb9: {  	s31 =	sshll.u32 s1, $0xD;
	s1 =	sshrl.u32 s1, $0x2  }
0xba: {  	s3 =	sand.u32 $0x4000, s31;
	s1 =	sadd.s32 s1, s30  }
0xbb: {  	s0 =	sor.u32 s3, s0;
	s1 =	sshll.u32 s1, $0x11  }
0xbc: {  	s0 =	sor.u32 s1, s0  }
0xbd: {  	s0 =	sadd.s32 $0x8F2B, s0  }
0xbe: {  	[sflag:s0] =	ssyncadd.remote.s32 $0x1  }
0xbf: {  	_ =	sfence.sel $0xFFFF  }
0xc0: {  	[dreg:$0x0] =	wrdreg $0xFFFFFFFF;
	(pc) =	sbr.abs _section_cstart, $3  }
0xc1: {  	[dreg:$0x1] =	wrdreg $0xFFFFFFFF  }
0xc2: {  	_ =	task.clear_ibuf [dreg:s6], $0x2FFFF;
	_ =	strace $0x9FFFFFFF  }
0xc3: {  	(tm) =	ssettm $0x7FFFFFFF  }
tec
execute0_lowered:
.L_overlay_start_1:
0x0: {  	(tag) =	ssettag $0x1  }
0x1: {  	s5 =	rddreg [dreg:$0x0]  }
0x2: {  	s1 =	srdreg.scid;
	s2 =	rddreg [dreg:$0x1]  }
0x3: {  	s0 =	stileid.u32;
	s3 =	rddreg [dreg:$0x2]  }
0x4: {  	s4 =	simm.s32 $0x0;
	s13 =	simm.s32 $0x500;
	s14 =	simm.s32 $0x1  }
0x5: {  	s15 =	simm.s32 $0x80;
	s16 =	simm.s32 $0x100;
	s7 =	smul.u32 $0x19000, s0  }
0x6: {  	s6 =	sand.u32 $0x1, s1;
	s1 =	rddreg [dreg:$0x3];
	s30 =	smul.u32 $0xC740, s0  }
0x7: {  	s17 =	simm.s32 $0x0;
	[smem:$0x7FF] =	sst s4;
	s8 =	smul.u32 $0xC800, s6  }
0x8: {  	s9 =	smul.u32 $0xC7400, s6;
	_ =	strace $0x8000004D;
	s6 =	ssub.s32 $0x2, s6  }
0x9: {  	s31 =	sshrl.u32 s30, $0x3;
	s10 =	sshrl.u32 s6, $0x1;
	s7 =	sadd.s32 s8, s7  }
0xa: {  	s9 =	sadd.s32 s30, s9;
	s10 =	ssub.s32 s6, s10;
	s6 =	sadd.s32 s30, s2  }
0xb: {  	s8 =	sadd.s32 s30, s3;
	s7 =	sshrl.u32 s7, $0x3;
	s9 =	sshrl.u32 s9, $0x3  }
0xc: {  	s10 =	smax.u32 s10, $0x1;
	s12 =	sadd.s32 s7, s5;
	s7 =	sadd.s32 s31, s5  }
0xd: {  	s9 =	sadd.s32 s9, s5;
	s5 =	sadd.s32 $0x66800, s7;
	s7 =	sadd.s32 $0x191000, s7  }
0xe: {  	s9 =	sadd.s32 $0x7F800, s9;
	s11 =	sadd.s32 $0x2800, s12;
	s12 =	sadd.s32 $0x34800, s12  }
.LBB2_1:
0xf: {  	[tilespmem:s13], [sflag:$0x1] =	stream.linear.gather [hbm4b:s5+s4], $0xC740, $0x38;
	[tilespmem:$0x19380] =	vst v63  }
0x10: {  	_ =	swait.ge [sflag:s14], $0xC740  }
0x11: {  	[sflag:s14] =	ssyncset.done $0x0  }
0x12: {  	[sflag:s14] =	ssyncadd.s32 $0xFFFF38C0  }
0x13: {  	[spmem:s6] =	stream.linear.scatter [tilespmem:s13], [sflag:$0x1], $0xC740, $0x38;
	[tilespmem:$0x19380] =	vst v63  }
0x14: {  	_ =	swait.ge [sflag:s14], $0xC740  }
0x15: {  	[sflag:s14] =	ssyncset.done $0x0  }
0x16: {  	[sflag:s14] =	ssyncadd.s32 $0xFFFF38C0  }
0x17: {  	[tilespmem:s13], [sflag:$0x1] =	stream.linear.gather [hbm4b:s7+s4], $0xC740, $0x38;
	[tilespmem:$0x19380] =	vst v63  }
0x18: {  	_ =	swait.ge [sflag:s14], $0xC740  }
0x19: {  	[sflag:s14] =	ssyncset.done $0x0  }
0x1a: {  	[sflag:s14] =	ssyncadd.s32 $0xFFFF38C0  }
0x1b: {  	[spmem:s8] =	stream.linear.scatter [tilespmem:s13], [sflag:$0x1], $0xC740, $0x38;
	[tilespmem:$0x19380] =	vst v63  }
0x1c: {  	_ =	swait.ge [sflag:s14], $0xC740  }
0x1d: {  	[sflag:s14] =	ssyncset.done $0x0  }
0x1e: {  	[sflag:s14] =	ssyncadd.s32 $0xFFFF38C0  }
0x1f: {  	s18 =	sadd.s32 $0x0, s12;
	[bflag:$0x0] =	sbarrier.arrive $0xFFFF  }
0x20: {  	[tilespmem:s4], [sflag:$0x1] =	stream.linear.gather [hbm4b:s18+s4], $0x80, $0x38;
	[tilespmem:$0x19380] =	vst v63  }
0x21: {  	_ =	swait.ge [sflag:s14], $0x80  }
0x22: {  	[sflag:s14] =	ssyncset.done $0x0  }
0x23: {  	s31 =	sadd.s32 $0x0, s11;
	[sflag:s14] =	ssyncadd.s32 $0xFFFFFF80  }
0x24: {  	[tilespmem:s15], [sflag:$0x1] =	stream.linear.gather [hbm4b:s31+s4], $0x80, $0x38;
	[tilespmem:$0x19380] =	vst v63  }
0x25: {  	_ =	swait.ge [sflag:s14], $0x80  }
0x26: {  	[sflag:s14] =	ssyncset.done $0x0  }
0x27: {  	[sflag:s14] =	ssyncadd.s32 $0xFFFFFF80  }
0x28: {  	[tilespmem:s16], [sflag:$0x1] =	stream.indirect.gather [spmem:s2], $0x4, s4, s15, $0xb8;
	[tilespmem:$0x19380] =	vst v63  }
0x29: {  	_ =	swait.ge [sflag:s14], $0x200  }
0x2a: {  	[sflag:s14] =	ssyncset.done $0x0  }
0x2b: {  	[sflag:s14] =	ssyncadd.s32 $0xFFFFFE00  }
0x2c: {  	[spmem:s3] =	stream.indirect.scatter.add.f32 [tilespmem:s16], [sflag:$0x1], $0x4, s15, s15, $0xb8;
	[tilespmem:$0x19380] =	vst v63  }
0x2d: {  	_ =	swait.ge [sflag:s14], $0x200  }
0x2e: {  	s19 =	simm.s32 $0x20;
	s18 =	simm.s32 $0x10;
	[sflag:s14] =	ssyncset.done $0x0  }
.LBB2_2:
0x2f: {  	s20 =	sadd.s32 s18, s12  }
0x30: {  	[sflag:s14] =	ssyncadd.s32 $0xFFFFFE00;
	s21 =	smov.u32 s19;
	s22 =	sadd.s32 $0x10, s19  }
0x31: {  	[tilespmem:s4], [sflag:$0x1] =	stream.linear.gather [hbm4b:s20+s4], $0x80, $0x38;
	[tilespmem:$0x19380] =	vst v63  }
0x32: {  	p0 =	sne.s32 s19, $0x18F0;
	_ =	swait.ge [sflag:s14], $0x80  }
0x33: {  	[sflag:s14] =	ssyncset.done $0x0  }
0x34: {  	s19 =	sadd.s32 s18, s11;
	s18 =	smov.u32 s21;
	[sflag:s14] =	ssyncadd.s32 $0xFFFFFF80  }
0x35: {  	[tilespmem:s15], [sflag:$0x1] =	stream.linear.gather [hbm4b:s19+s4], $0x80, $0x38;
	[tilespmem:$0x19380] =	vst v63  }
0x36: {  	_ =	swait.ge [sflag:s14], $0x80  }
0x37: {  	[sflag:s14] =	ssyncset.done $0x0  }
0x38: {  	[sflag:s14] =	ssyncadd.s32 $0xFFFFFF80  }
0x39: {  	[tilespmem:s16], [sflag:$0x1] =	stream.indirect.gather [spmem:s2], $0x4, s4, s15, $0xb8;
	[tilespmem:$0x19380] =	vst v63  }
0x3a: {  	_ =	swait.ge [sflag:s14], $0x200  }
.Ltmp0:
0x3b: {  	[sflag:s14] =	ssyncset.done $0x0;
	(pc) =	sbr.rel @p0 .LBB2_2-.Ltmp0, $4  }
0x3c: {  	[sflag:s14] =	ssyncadd.s32 $0xFFFFFE00  }
0x3d: {  	[spmem:s3] =	stream.indirect.scatter.add.f32 [tilespmem:s16], [sflag:$0x1], $0x4, s15, s15, $0xb8;
	[tilespmem:$0x19380] =	vst v63  }
0x3e: {  	_ =	swait.ge [sflag:s14], $0x200  }
0x3f: {  	s19 =	smov.u32 s22;
	[sflag:s14] =	ssyncset.done $0x0  }
0x40: {  	s19 =	sadd.s32 s18, s12;
	[sflag:s14] =	ssyncadd.s32 $0xFFFFFE00  }
0x41: {  	[tilespmem:s4], [sflag:$0x1] =	stream.linear.gather [hbm4b:s19+s4], $0x80, $0x38;
	[tilespmem:$0x19380] =	vst v63  }
0x42: {  	_ =	swait.ge [sflag:s14], $0x80  }
0x43: {  	[sflag:s14] =	ssyncset.done $0x0  }
0x44: {  	s31 =	sadd.s32 s18, s11;
	[sflag:s14] =	ssyncadd.s32 $0xFFFFFF80  }
0x45: {  	[tilespmem:s15], [sflag:$0x1] =	stream.linear.gather [hbm4b:s31+s4], $0x80, $0x38;
	[tilespmem:$0x19380] =	vst v63  }
0x46: {  	_ =	swait.ge [sflag:s14], $0x80  }
0x47: {  	[sflag:s14] =	ssyncset.done $0x0  }
0x48: {  	[sflag:s14] =	ssyncadd.s32 $0xFFFFFF80  }
0x49: {  	[tilespmem:s16], [sflag:$0x1] =	stream.indirect.gather [spmem:s2], $0x4, s4, s15, $0xb8;
	[tilespmem:$0x19380] =	vst v63  }
0x4a: {  	_ =	swait.ge [sflag:s14], $0x200  }
0x4b: {  	[sflag:s14] =	ssyncset.done $0x0  }
0x4c: {  	[sflag:s14] =	ssyncadd.s32 $0xFFFFFE00  }
0x4d: {  	[spmem:s3] =	stream.indirect.scatter.add.f32 [tilespmem:s16], [sflag:$0x1], $0x4, s15, s15, $0xb8;
	[tilespmem:$0x19380] =	vst v63  }
0x4e: {  	_ =	swait.ge [sflag:s14], $0x200  }
0x4f: {  	[sflag:s14] =	ssyncset.done $0x0  }
0x50: {  	[sflag:s14] =	ssyncadd.s32 $0xFFFFFE00  }
0x51: {  	[bflag:$0x0] =	sbarrier.arrive $0xFFFF  }
0x52: {  	[tilespmem:s13], [sflag:$0x1] =	stream.linear.gather [spmem:s8], $0xC740, $0x38;
	[tilespmem:$0x19380] =	vst v63  }
0x53: {  	s17 =	sadd.s32 $0x1, s17;
	_ =	swait.ge [sflag:s14], $0xC740  }
0x54: {  	p0 =	sne.s32 s17, s10;
	[sflag:s14] =	ssyncset.done $0x0  }
.Ltmp1:
0x55: {  	[sflag:s14] =	ssyncadd.s32 $0xFFFF38C0;
	(pc) =	sbr.rel @p0 .LBB2_1-.Ltmp1, $4  }
0x56: {  	[hbm4b:s9+s4] =	stream.linear.scatter [tilespmem:s13], [sflag:$0x1], $0xC740, $0x38;
	[tilespmem:$0x19380] =	vst v63  }
0x57: {  	_ =	swait.ge [sflag:s14], $0xC740  }
0x58: {  	[sflag:s14] =	ssyncset.done $0x0  }
0x59: {  	[sflag:s14] =	ssyncadd.s32 $0xFFFF38C0  }
0x5a: {  	_ =	sfence.sel $0x180000  }
0x5b: {  	[bflag:$0x0] =	sbarrier.arrive $0xFFFF  }
0x5c: {  	p0 =	sne.s32 s0, $0x0;
	_ =	strace $0x9000004D  }
0x5d: {  	s0 =	sadd.s32 @!p0 $0x100000, s1;
	[bflag:$0x2] =	sbarrier.arrive $0xFFFF  }
0x5e: {  	[sflag:s0] =	ssyncadd.tile.s32 @!p0 $0x1;
	_ =	shalt  }
.Lfunc_end2:
_tile_overlayer_lowered:
.L_overlay_start_2:
0x5f: {  	(tag) =	ssettag $0x2  }
0x60: {  	s0 =	rddreg [dreg:$0x0];
	s2 =	stileid.u32  }
0x61: {  	s1 =	rddreg [dreg:$0x1];
	p0 =	sne.s32 s2, $0x0  }
0x62: {  	s3 =	rddreg [dreg:$0x2];
	[bflag:$0x3] =	sbarrier.arrive $0xFFFF;
	s2 =	simm.s32 @!p0 $0x1C01  }
0x63: {  	[timem:s3], [sflag:s2] =	dma.local @!p0 [hbm:s0], s1  }
0x64: {  	s0 =	simm.s32 @!p0 $0x1  }
0x65: {  	_ =	swait.ge @!p0 [sflag:s0], s1  }
0x66: {  	s1 =	ssub.s32 @!p0 $0x0, s1;
	[sflag:s0] =	ssyncset.done @!p0 $0x0  }
0x67: {  	[sflag:s0] =	ssyncadd.s32 @!p0 s1  }
0x68: {  	[bflag:$0x3] =	sbarrier.arrive $0xFFFF  }
0x69: {  	_ =	shalt  }

// kernel: kernel.20.cloned.1.call-start
scs
__scs_entry_jumppad:
0x0: {  	(pc) =	sbr.rel $0x88, $3  }
0x1: {  	(tag) =	ssettag $0x0;
	lr =	simm.s32 $0x1  }
0x2: {  	[smem:$0x3F94] =	sst lr;
	_ =	strace $0xD0000000  }
0x3: {  	_ = 	snop  }
0x4: {  	_ = 	snop  }
0x5: {  	_ = 	snop  }
0x6: {  	_ = 	snop  }
0x7: {  	_ = 	snop  }
__scs_overlays_trampoline_lowered:
0x8: {  	[smem:$0x3FA3] =	sst s0  }
0x9: {  	[smem:$0x3FA4] =	sst s1  }
0xa: {  	[smem:$0x3FA5] =	sst s2  }
0xb: {  	[smem:$0x3FA6] =	sst s3  }
0xc: {  	[smem:$0x3FA7] =	sst s4  }
0xd: {  	[smem:$0x3FA8] =	sst s5  }
0xe: {  	[smem:$0x3FA9] =	sst s6  }
0xf: {  	[smem:$0x3FAA] =	sst s7  }
0x10: {  	[smem:$0x3FAB] =	sst s8  }
0x11: {  	[smem:$0x3FAC] =	sst s9;
	s0 =	simm.s32 @!p0 $0x0  }
0x12: {  	s1 =	sld [smem:$0x3F92];
	s0 =	simm.s32 @p0 $0x1  }
0x13: {  	[smem:$0x3FAD] =	sst s0;
	s0 =	simm.s32 @!p1 $0x0  }
0x14: {  	s2 =	sld [smem:$0x3F91];
	s0 =	simm.s32 @p1 $0x1  }
0x15: {  	[smem:$0x3FAE] =	sst s0;
	s0 =	simm.s32 @!p2 $0x0  }
0x16: {  	s3 =	sld [smem:$0x3FDB];
	s0 =	simm.s32 @p2 $0x1  }
0x17: {  	s4 =	simm.s32 $0x1BF5;
	[smem:$0x3FB0] =	sst s0  }
0x18: {  	s0 =	sld [smem:$0x3F93];
	_ =	swait.ge [sflag:s4], $0x0  }
0x19: {  	s7 =	sld [smem:$0x3F94]  }
0x1a: {  	s8 =	sadd.s32 $0xFFFFE003, lr  }
0x1b: {  	s9 =	sadd.s32 $0xFFFFFEF7, lr;
	s5 =	simm.s32 $0xFFFFFFFF;
	p2 =	slt.u32 s8, $0xFFFFF086  }
0x1c: {  	p1 =	slt.u32 s9, $0xF7A;
	s5 =	simm.s32 @!p2 $0x0  }
0x1d: {  	s5 =	simm.s32 @p1 $0x1;
	p0 =	seq.s32 s7, s2  }
0x1e: {  	s7 =	smul.u32 @!p0 $0xF7A, s2;
	p2 =	seq.s32 @!p0 s5, $0x0  }
0x1f: {  	s9 =	smul.u32 $0xF7A, s1;
	s8 =	simm.s32 @!p0 $0x1BF5;
	p2 =	por !p2, p0  }
0x20: {  	[sflag:s8] =	ssyncset.s32 @!p0 $0xFFFFF086;
	s6 =	sadd.s32 @!p0 s3, s7;
	s7 =	simm.s32 @!p0 $0x108  }
0x21: {  	s3 =	sadd.s32 s3, s9;
	s6 =	sadd.s32 @!p0 $0x88, s6;
	s7 =	simm.s32 @p2 $0x1082  }
0x22: {  	[simem:s7], [sflag:s8] =	dma.local @!p0 [hbm:s6], $0xF7A  }
0x23: {  	s9 =	sor.u32 $0xD0000000, s2;
	s6 =	simm.s32 $0x108;
	_ =	swait.ge @!p0 [sflag:s8], $0x0  }
0x24: {  	s3 =	sadd.s32 $0x88, s3;
	s6 =	simm.s32 @!p1 $0x1082;
	[sflag:s4] =	ssyncset.s32 $0xFFFFF086  }
0x25: {  	[simem:s6], [sflag:s4] =	dma.local [hbm:s3], $0xF7A  }
0x26: {  	[smem:$0x3F94] =	sst s1;
	(tag) =	ssettag s2;
	_ =	strace s9  }
0x27: {  	s1 =	sld [smem:$0x3FA4]  }
0x28: {  	s2 =	sld [smem:$0x3FA5]  }
0x29: {  	s4 =	sld [smem:$0x3FA7]  }
0x2a: {  	p0 =	seq.s32 s5, $0x0;
	s5 =	sld [smem:$0x3FA8]  }
0x2b: {  	s6 =	sld [smem:$0x3FA9]  }
0x2c: {  	s7 =	sld [smem:$0x3FAA]  }
0x2d: {  	s3 =	simm.s32 $0x108;
	s8 =	sld [smem:$0x3FAB]  }
0x2e: {  	s3 =	simm.s32 @!p0 $0x1082;
	s9 =	sld [smem:$0x3FAC]  }
0x2f: {  	lr =	sadd.s32 s0, s3;
	s0 =	sld [smem:$0x3FA3]  }
0x30: {  	s3 =	sld [smem:$0x3FA6]  }
0x31: {  	[smem:$0x3FAF] =	sst s10  }
0x32: {  	s10 =	sld [smem:$0x3FAD];
	_ =	sdelay $0x3  }
0x33: {  	p0 =	seq.s32 s10, $0x1;
	s10 =	sld [smem:$0x3FAF];
	_ =	sdelay $0x3  }
0x34: {  	[smem:$0x3FAF] =	sst s10  }
0x35: {  	s10 =	sld [smem:$0x3FAE];
	_ =	sdelay $0x3  }
0x36: {  	p1 =	seq.s32 s10, $0x1;
	s10 =	sld [smem:$0x3FAF];
	_ =	sdelay $0x3  }
0x37: {  	[smem:$0x3FAF] =	sst s10  }
0x38: {  	s10 =	sld [smem:$0x3FB0]  }
0x39: {  	_ = 	snop;
	(pc) =	sbr.ind lr, $3  }
0x3a: {  	_ = 	snop  }
0x3b: {  	_ = 	snop  }
0x3c: {  	p2 =	seq.s32 s10, $0x1;
	s10 =	sld [smem:$0x3FAF]  }
0x3d: {  	_ =	shalt  }
0x3e: {  	_ =	shalt  }
0x3f: {  	_ =	shalt  }
0x40: {  	_ =	shalt  }
0x41: {  	_ =	shalt  }
0x42: {  	_ =	shalt  }
0x43: {  	_ =	shalt  }
0x44: {  	_ =	shalt  }
0x45: {  	_ =	shalt  }
0x46: {  	_ =	shalt  }
0x47: {  	_ =	shalt  }
0x48: {  	_ =	shalt  }
0x49: {  	_ =	shalt  }
0x4a: {  	_ =	shalt  }
0x4b: {  	_ =	shalt  }
0x4c: {  	_ =	shalt  }
0x4d: {  	_ =	shalt  }
0x4e: {  	_ =	shalt  }
0x4f: {  	_ =	shalt  }
0x50: {  	_ =	shalt  }
0x51: {  	_ =	shalt  }
0x52: {  	_ =	shalt  }
0x53: {  	_ =	shalt  }
0x54: {  	_ =	shalt  }
0x55: {  	_ =	shalt  }
0x56: {  	_ =	shalt  }
0x57: {  	_ =	shalt  }
0x58: {  	_ =	shalt  }
0x59: {  	_ =	shalt  }
0x5a: {  	_ =	shalt  }
0x5b: {  	_ =	shalt  }
0x5c: {  	_ =	shalt  }
0x5d: {  	_ =	shalt  }
0x5e: {  	_ =	shalt  }
0x5f: {  	_ =	shalt  }
0x60: {  	_ =	shalt  }
0x61: {  	_ =	shalt  }
0x62: {  	_ =	shalt  }
0x63: {  	_ =	shalt  }
0x64: {  	_ =	shalt  }
0x65: {  	_ =	shalt  }
0x66: {  	_ =	shalt  }
0x67: {  	_ =	shalt  }
0x68: {  	_ =	shalt  }
0x69: {  	_ =	shalt  }
0x6a: {  	_ =	shalt  }
0x6b: {  	_ =	shalt  }
0x6c: {  	_ =	shalt  }
0x6d: {  	_ =	shalt  }
0x6e: {  	_ =	shalt  }
0x6f: {  	_ =	shalt  }
0x70: {  	_ =	shalt  }
0x71: {  	_ =	shalt  }
0x72: {  	_ =	shalt  }
0x73: {  	_ =	shalt  }
0x74: {  	_ =	shalt  }
0x75: {  	_ =	shalt  }
0x76: {  	_ =	shalt  }
0x77: {  	_ =	shalt  }
0x78: {  	_ =	shalt  }
0x79: {  	_ =	shalt  }
0x7a: {  	_ =	shalt  }
0x7b: {  	_ =	shalt  }
0x7c: {  	_ =	shalt  }
0x7d: {  	_ =	shalt  }
0x7e: {  	_ =	shalt  }
0x7f: {  	_ =	shalt  }
0x80: {  	_ =	shalt  }
0x81: {  	_ =	shalt  }
0x82: {  	_ =	shalt  }
0x83: {  	_ =	shalt  }
0x84: {  	_ =	shalt  }
0x85: {  	_ =	shalt  }
0x86: {  	_ =	shalt  }
0x87: {  	_ =	shalt  }
.Lfunc_end0:
.L_simem_size_0:
called_computation.3_lowered:
.L_overlay_start_0:
0x88: {  	s2 =	sld [smem:$0x3FD9]  }
0x89: {  	s3 =	sld [smem:$0x3FFE];
	_ =	sdelay $0x1  }
0x8a: {  	s1 =	srdreg.scid  }
0x8b: {  	s0 =	sand.u32 $0x1, s1  }
0x8c: {  	s16 =	sshll.u32 s0, $0xA;
	s2 =	sadd.s32 s3, s2  }
0x8d: {  	s2 =	sadd.s32 s2, s16  }
0x8e: {  	[smem:$0x3FBB] =	sst s2  }
0x8f: {  	_ = 	snop  }
0x90: {  	(tm) =	ssettm $0x1  }
0x91: {  	s17 =	sld [smem:$0x3FFB];
	_ =	sdelay $0x3  }
0x92: {  	_ =	strace s17  }
0x93: {  	s2 =	sld [smem:$0x3FFC];
	_ =	sdelay $0x3  }
0x94: {  	_ =	strace s2  }
0x95: {  	s2 =	sld [smem:$0x3FFD];
	_ =	sdelay $0x3  }
0x96: {  	_ =	strace s2  }
0x97: {  	_ =	strace $0x8FFFFFFF  }
0x98: {  	s18 =	sld [smem:$0x3FDB];
	_ =	sdelay $0x1  }
0x99: {  	s19 =	simm.s32 $_scs_section_size  }
0x9a: {  	s4 =	simm.s32 $_size__tile_overlayer_lowered;
	s5 =	simm.s32 $_tile_overlayer_lowered  }
0x9b: {  	s22 =	simm.s32 $0x1BFF;
	s21 =	sshll.u32 s5, $0x1;
	s2 =	sadd.s32 s19, s18  }
0x9c: {  	s6 =	simm.s32 $0x0;
	s20 =	sshll.u32 s4, $0x1;
	s4 =	sadd.s32 s21, s2  }
0x9d: {  	[timem:s6], [sflag:s22] =	dma.local [hbm:s4], s20  }
0x9e: {  	_ =	swait.ge [sflag:s22], s20  }
0x9f: {  	s3 =	ssub.s32 $0x0, s20;
	[sflag:s22] =	ssyncset.done $0x0  }
0xa0: {  	[sflag:s22] =	ssyncadd.s32 s3;
	_ =	sdelay $0x1  }
0xa1: {  	s23 =	simm.s32 $0x1B8B  }
0xa2: {  	_ =	swait.ge [sflag:s23], $0x1  }
0xa3: {  	[sflag:s23] =	ssyncset.done $0x0  }
0xa4: {  	s25 =	simm.s32 $0x1B8E;
	s24 =	sld [smem:$0x3FFE];
	[sflag:s23] =	ssyncadd.s32 $0xFFFFFFFF  }
0xa5: {  	s26 =	simm.s32 $execute0_lowered;
	[smem:$0x3FD2] =	sst s25  }
0xa6: {  	s4 =	sshll.u32 s26, $0x1;
	_ =	strace $0x8000004F;
	[dreg:$0x1] =	wrdreg $0xFFFFFFFF  }
0xa7: {  	s28 =	simm.s32 $_size_execute0_lowered;
	s2 =	sadd.s32 s2, s4;
	[dreg:$0x0] =	wrdreg $0x0  }
0xa8: {  	s4 =	sshll.u32 s28, $0x1;
	[dreg:$0x2] =	wrdreg s2  }
0xa9: {  	[dreg:$0x3] =	wrdreg s4  }
0xaa: {  	[dreg:$0x4] =	wrdreg $0xC0  }
0xab: {  	_ =	task [dreg:s6], $0x5FFFF  }
0xac: {  	[dreg:$0x1] =	wrdreg $0xFFFFFFFF  }
0xad: {  	[dreg:$0x0] =	wrdreg $0x60  }
0xae: {  	[dreg:$0x2] =	wrdreg s24  }
0xaf: {  	[dreg:$0x3] =	wrdreg $0xCC400  }
0xb0: {  	[dreg:$0x4] =	wrdreg $0x12FE00  }
0xb1: {  	[dreg:$0x5] =	wrdreg $0x9  }
0xb2: {  	_ =	task.clear_ibuf [dreg:s6], $0x6FFFF;
	_ =	strace $0x9000004F  }
0xb3: {  	s29 =	simm.s32 $0x9;
	_ =	strace $0x80000051  }
0xb4: {  	_ =	swait.ge [sflag:s29], $0x1  }
0xb5: {  	[sflag:s29] =	ssyncadd.s32 $0xFFFFFFFF  }
0xb6: {  	_ =	strace $0x90000051  }
0xb7: {  	_ =	sfence  }
0xb8: {  	s30 =	sld [smem:$0x0];
	_ =	sdelay $0x2  }
0xb9: {  	s31 =	sshll.u32 s1, $0xD;
	s1 =	sshrl.u32 s1, $0x2  }
0xba: {  	s3 =	sand.u32 $0x4000, s31;
	s1 =	sadd.s32 s1, s30  }
0xbb: {  	s0 =	sor.u32 s3, s0;
	s1 =	sshll.u32 s1, $0x11  }
0xbc: {  	s0 =	sor.u32 s1, s0  }
0xbd: {  	s0 =	sadd.s32 $0x8F2B, s0  }
0xbe: {  	[sflag:s0] =	ssyncadd.remote.s32 $0x1  }
0xbf: {  	_ =	sfence.sel $0xFFFF  }
0xc0: {  	[dreg:$0x0] =	wrdreg $0xFFFFFFFF;
	(pc) =	sbr.abs _section_cstart, $3  }
0xc1: {  	[dreg:$0x1] =	wrdreg $0xFFFFFFFF  }
0xc2: {  	_ =	task.clear_ibuf [dreg:s6], $0x2FFFF;
	_ =	strace $0x9FFFFFFF  }
0xc3: {  	(tm) =	ssettm $0x7FFFFFFF  }
tec
execute0_lowered:
.L_overlay_start_1:
0x0: {  	(tag) =	ssettag $0x1  }
0x1: {  	s5 =	rddreg [dreg:$0x0]  }
0x2: {  	s1 =	srdreg.scid;
	s2 =	rddreg [dreg:$0x1]  }
0x3: {  	s0 =	stileid.u32;
	s3 =	rddreg [dreg:$0x2]  }
0x4: {  	s4 =	simm.s32 $0x0;
	s13 =	simm.s32 $0x500;
	s14 =	simm.s32 $0x1  }
0x5: {  	s15 =	simm.s32 $0x80;
	s16 =	simm.s32 $0x100;
	s7 =	smul.u32 $0x19000, s0  }
0x6: {  	s6 =	sand.u32 $0x1, s1;
	s1 =	rddreg [dreg:$0x3];
	s30 =	smul.u32 $0xC740, s0  }
0x7: {  	s17 =	simm.s32 $0x0;
	[smem:$0x7FF] =	sst s4;
	s8 =	smul.u32 $0xC800, s6  }
0x8: {  	s9 =	smul.u32 $0xC7400, s6;
	_ =	strace $0x80000050;
	s6 =	ssub.s32 $0x2, s6  }
0x9: {  	s31 =	sshrl.u32 s30, $0x3;
	s10 =	sshrl.u32 s6, $0x1;
	s7 =	sadd.s32 s8, s7  }
0xa: {  	s9 =	sadd.s32 s30, s9;
	s10 =	ssub.s32 s6, s10;
	s6 =	sadd.s32 s30, s2  }
0xb: {  	s8 =	sadd.s32 s30, s3;
	s7 =	sshrl.u32 s7, $0x3;
	s9 =	sshrl.u32 s9, $0x3  }
0xc: {  	s10 =	smax.u32 s10, $0x1;
	s12 =	sadd.s32 s7, s5;
	s7 =	sadd.s32 s31, s5  }
0xd: {  	s9 =	sadd.s32 s9, s5;
	s5 =	sadd.s32 $0x66800, s7;
	s7 =	sadd.s32 $0x191000, s7  }
0xe: {  	s9 =	sadd.s32 $0x7F800, s9;
	s11 =	sadd.s32 $0x34800, s12;
	s12 =	sadd.s32 $0x2800, s12  }
.LBB2_1:
0xf: {  	[tilespmem:s13], [sflag:$0x1] =	stream.linear.gather [hbm4b:s5+s4], $0xC740, $0x38;
	[tilespmem:$0x19380] =	vst v63  }
0x10: {  	_ =	swait.ge [sflag:s14], $0xC740  }
0x11: {  	[sflag:s14] =	ssyncset.done $0x0  }
0x12: {  	[sflag:s14] =	ssyncadd.s32 $0xFFFF38C0  }
0x13: {  	[spmem:s6] =	stream.linear.scatter [tilespmem:s13], [sflag:$0x1], $0xC740, $0x38;
	[tilespmem:$0x19380] =	vst v63  }
0x14: {  	_ =	swait.ge [sflag:s14], $0xC740  }
0x15: {  	[sflag:s14] =	ssyncset.done $0x0  }
0x16: {  	[sflag:s14] =	ssyncadd.s32 $0xFFFF38C0  }
0x17: {  	[tilespmem:s13], [sflag:$0x1] =	stream.linear.gather [hbm4b:s7+s4], $0xC740, $0x38;
	[tilespmem:$0x19380] =	vst v63  }
0x18: {  	_ =	swait.ge [sflag:s14], $0xC740  }
0x19: {  	[sflag:s14] =	ssyncset.done $0x0  }
0x1a: {  	[sflag:s14] =	ssyncadd.s32 $0xFFFF38C0  }
0x1b: {  	[spmem:s8] =	stream.linear.scatter [tilespmem:s13], [sflag:$0x1], $0xC740, $0x38;
	[tilespmem:$0x19380] =	vst v63  }
0x1c: {  	_ =	swait.ge [sflag:s14], $0xC740  }
0x1d: {  	[sflag:s14] =	ssyncset.done $0x0  }
0x1e: {  	[sflag:s14] =	ssyncadd.s32 $0xFFFF38C0  }
0x1f: {  	s18 =	sadd.s32 $0x0, s12;
	[bflag:$0x0] =	sbarrier.arrive $0xFFFF  }
0x20: {  	[tilespmem:s4], [sflag:$0x1] =	stream.linear.gather [hbm4b:s18+s4], $0x80, $0x38;
	[tilespmem:$0x19380] =	vst v63  }
0x21: {  	_ =	swait.ge [sflag:s14], $0x80  }
0x22: {  	[sflag:s14] =	ssyncset.done $0x0  }
0x23: {  	s31 =	sadd.s32 $0x0, s11;
	[sflag:s14] =	ssyncadd.s32 $0xFFFFFF80  }
0x24: {  	[tilespmem:s15], [sflag:$0x1] =	stream.linear.gather [hbm4b:s31+s4], $0x80, $0x38;
	[tilespmem:$0x19380] =	vst v63  }
0x25: {  	_ =	swait.ge [sflag:s14], $0x80  }
0x26: {  	[sflag:s14] =	ssyncset.done $0x0  }
0x27: {  	[sflag:s14] =	ssyncadd.s32 $0xFFFFFF80  }
0x28: {  	[tilespmem:s16], [sflag:$0x1] =	stream.indirect.gather [spmem:s2], $0x4, s4, s15, $0xb8;
	[tilespmem:$0x19380] =	vst v63  }
0x29: {  	_ =	swait.ge [sflag:s14], $0x200  }
0x2a: {  	[sflag:s14] =	ssyncset.done $0x0  }
0x2b: {  	[sflag:s14] =	ssyncadd.s32 $0xFFFFFE00  }
0x2c: {  	[spmem:s3] =	stream.indirect.scatter.add.f32 [tilespmem:s16], [sflag:$0x1], $0x4, s15, s15, $0xb8;
	[tilespmem:$0x19380] =	vst v63  }
0x2d: {  	_ =	swait.ge [sflag:s14], $0x200  }
0x2e: {  	s19 =	simm.s32 $0x20;
	s18 =	simm.s32 $0x10;
	[sflag:s14] =	ssyncset.done $0x0  }
.LBB2_2:
0x2f: {  	s20 =	sadd.s32 s18, s12  }
0x30: {  	[sflag:s14] =	ssyncadd.s32 $0xFFFFFE00;
	s21 =	smov.u32 s19;
	s22 =	sadd.s32 $0x10, s19  }
0x31: {  	[tilespmem:s4], [sflag:$0x1] =	stream.linear.gather [hbm4b:s20+s4], $0x80, $0x38;
	[tilespmem:$0x19380] =	vst v63  }
0x32: {  	p0 =	sne.s32 s19, $0x18F0;
	_ =	swait.ge [sflag:s14], $0x80  }
0x33: {  	[sflag:s14] =	ssyncset.done $0x0  }
0x34: {  	s19 =	sadd.s32 s18, s11;
	s18 =	smov.u32 s21;
	[sflag:s14] =	ssyncadd.s32 $0xFFFFFF80  }
0x35: {  	[tilespmem:s15], [sflag:$0x1] =	stream.linear.gather [hbm4b:s19+s4], $0x80, $0x38;
	[tilespmem:$0x19380] =	vst v63  }
0x36: {  	_ =	swait.ge [sflag:s14], $0x80  }
0x37: {  	[sflag:s14] =	ssyncset.done $0x0  }
0x38: {  	[sflag:s14] =	ssyncadd.s32 $0xFFFFFF80  }
0x39: {  	[tilespmem:s16], [sflag:$0x1] =	stream.indirect.gather [spmem:s2], $0x4, s4, s15, $0xb8;
	[tilespmem:$0x19380] =	vst v63  }
0x3a: {  	_ =	swait.ge [sflag:s14], $0x200  }
.Ltmp0:
0x3b: {  	[sflag:s14] =	ssyncset.done $0x0;
	(pc) =	sbr.rel @p0 .LBB2_2-.Ltmp0, $4  }
0x3c: {  	[sflag:s14] =	ssyncadd.s32 $0xFFFFFE00  }
0x3d: {  	[spmem:s3] =	stream.indirect.scatter.add.f32 [tilespmem:s16], [sflag:$0x1], $0x4, s15, s15, $0xb8;
	[tilespmem:$0x19380] =	vst v63  }
0x3e: {  	_ =	swait.ge [sflag:s14], $0x200  }
0x3f: {  	s19 =	smov.u32 s22;
	[sflag:s14] =	ssyncset.done $0x0  }
0x40: {  	s19 =	sadd.s32 s18, s12;
	[sflag:s14] =	ssyncadd.s32 $0xFFFFFE00  }
0x41: {  	[tilespmem:s4], [sflag:$0x1] =	stream.linear.gather [hbm4b:s19+s4], $0x80, $0x38;
	[tilespmem:$0x19380] =	vst v63  }
0x42: {  	_ =	swait.ge [sflag:s14], $0x80  }
0x43: {  	[sflag:s14] =	ssyncset.done $0x0  }
0x44: {  	s31 =	sadd.s32 s18, s11;
	[sflag:s14] =	ssyncadd.s32 $0xFFFFFF80  }
0x45: {  	[tilespmem:s15], [sflag:$0x1] =	stream.linear.gather [hbm4b:s31+s4], $0x80, $0x38;
	[tilespmem:$0x19380] =	vst v63  }
0x46: {  	_ =	swait.ge [sflag:s14], $0x80  }
0x47: {  	[sflag:s14] =	ssyncset.done $0x0  }
0x48: {  	[sflag:s14] =	ssyncadd.s32 $0xFFFFFF80  }
0x49: {  	[tilespmem:s16], [sflag:$0x1] =	stream.indirect.gather [spmem:s2], $0x4, s4, s15, $0xb8;
	[tilespmem:$0x19380] =	vst v63  }
0x4a: {  	_ =	swait.ge [sflag:s14], $0x200  }
0x4b: {  	[sflag:s14] =	ssyncset.done $0x0  }
0x4c: {  	[sflag:s14] =	ssyncadd.s32 $0xFFFFFE00  }
0x4d: {  	[spmem:s3] =	stream.indirect.scatter.add.f32 [tilespmem:s16], [sflag:$0x1], $0x4, s15, s15, $0xb8;
	[tilespmem:$0x19380] =	vst v63  }
0x4e: {  	_ =	swait.ge [sflag:s14], $0x200  }
0x4f: {  	[sflag:s14] =	ssyncset.done $0x0  }
0x50: {  	[sflag:s14] =	ssyncadd.s32 $0xFFFFFE00  }
0x51: {  	[bflag:$0x0] =	sbarrier.arrive $0xFFFF  }
0x52: {  	[tilespmem:s13], [sflag:$0x1] =	stream.linear.gather [spmem:s8], $0xC740, $0x38;
	[tilespmem:$0x19380] =	vst v63  }
0x53: {  	s17 =	sadd.s32 $0x1, s17;
	_ =	swait.ge [sflag:s14], $0xC740  }
0x54: {  	p0 =	sne.s32 s17, s10;
	[sflag:s14] =	ssyncset.done $0x0  }
.Ltmp1:
0x55: {  	[sflag:s14] =	ssyncadd.s32 $0xFFFF38C0;
	(pc) =	sbr.rel @p0 .LBB2_1-.Ltmp1, $4  }
0x56: {  	[hbm4b:s9+s4] =	stream.linear.scatter [tilespmem:s13], [sflag:$0x1], $0xC740, $0x38;
	[tilespmem:$0x19380] =	vst v63  }
0x57: {  	_ =	swait.ge [sflag:s14], $0xC740  }
0x58: {  	[sflag:s14] =	ssyncset.done $0x0  }
0x59: {  	[sflag:s14] =	ssyncadd.s32 $0xFFFF38C0  }
0x5a: {  	_ =	sfence.sel $0x180000  }
0x5b: {  	[bflag:$0x0] =	sbarrier.arrive $0xFFFF  }
0x5c: {  	p0 =	sne.s32 s0, $0x0;
	_ =	strace $0x90000050  }
0x5d: {  	s0 =	sadd.s32 @!p0 $0x100000, s1;
	[bflag:$0x2] =	sbarrier.arrive $0xFFFF  }
0x5e: {  	[sflag:s0] =	ssyncadd.tile.s32 @!p0 $0x1;
	_ =	shalt  }
.Lfunc_end2:
_tile_overlayer_lowered:
.L_overlay_start_2:
0x5f: {  	(tag) =	ssettag $0x2  }
0x60: {  	s0 =	rddreg [dreg:$0x0];
	s2 =	stileid.u32  }
0x61: {  	s1 =	rddreg [dreg:$0x1];
	p0 =	sne.s32 s2, $0x0  }
0x62: {  	s3 =	rddreg [dreg:$0x2];
	[bflag:$0x3] =	sbarrier.arrive $0xFFFF;
	s2 =	simm.s32 @!p0 $0x1C01  }
0x63: {  	[timem:s3], [sflag:s2] =	dma.local @!p0 [hbm:s0], s1  }
0x64: {  	s0 =	simm.s32 @!p0 $0x1  }
0x65: {  	_ =	swait.ge @!p0 [sflag:s0], s1  }
0x66: {  	s1 =	ssub.s32 @!p0 $0x0, s1;
	[sflag:s0] =	ssyncset.done @!p0 $0x0  }
0x67: {  	[sflag:s0] =	ssyncadd.s32 @!p0 s1  }
0x68: {  	[bflag:$0x3] =	sbarrier.arrive $0xFFFF  }
0x69: {  	_ =	shalt  }

</sc_bundles>
